<compile_context>
chip_gen: v7x
topology: tpu7x:2x2x1
jax: 0.10.2.dev20260603
libtpu: 0.0.44.dev20260713+nightly
codegen_flags: <defaults>
</compile_context>

<pallas_src>
import jax
import jax.numpy as jnp
from jax import lax
from jax.experimental import pallas as pl
from jax.experimental.pallas import tpu as pltpu
from jax.experimental.pallas import tpu_sc as plsc

N = 10000
E = 320000
D = 128

NC = 2
NS = 16
CHUNK = 40
EDGES_PER_TILE = E // (NC * NS)
NCHUNK = EDGES_PER_TILE // CHUNK
NBUF = 5

BLK = 2000


def _pre_sup_body(x_ref, w1_ref, sup_ref):
    sup_ref[...] = jnp.dot(x_ref[...], w1_ref[...],
                           preferred_element_type=jnp.float32)


def _pre_sup(x, w1):
    row = pl.BlockSpec((BLK, D), lambda i: (i, 0))
    mat = pl.BlockSpec((D, D), lambda i: (0, 0))
    return pl.pallas_call(
        _pre_sup_body,
        grid=(N // BLK,),
        in_specs=[row, mat],
        out_specs=row,
        out_shape=jax.ShapeDtypeStruct((N, D), jnp.float32),
    )(x, w1)


def _agg_body(sup_hbm, src_hbm, dst_hbm, zeros_hbm, out_hbm,
              src_idx, dst_idx, rows0, rows1, rows2, rows3, rows4, agg_sh,
              semg0, semg1, semg2, semg3, semg4,
              sems0, sems1, sems2, sems3, sems4):
    c = lax.axis_index("c")
    s = lax.axis_index("s")
    base = pl.multiple_of((c * NS + s) * EDGES_PER_TILE, 8)

    pltpu.sync_copy(src_hbm.at[pl.ds(base, EDGES_PER_TILE)], src_idx)
    pltpu.sync_copy(dst_hbm.at[pl.ds(base, EDGES_PER_TILE)], dst_idx)

    def issue_g(j, rows, sem):
        pltpu.async_copy(sup_hbm.at[src_idx.at[pl.ds(j * CHUNK, CHUNK)]],
                         rows, sem)

    def wait_g(j, rows, sem):
        pltpu.make_async_copy(
            sup_hbm.at[src_idx.at[pl.ds(j * CHUNK, CHUNK)]], rows, sem).wait()

    def issue_s(j, rows, sem):
        pltpu.async_copy(
            rows, agg_sh.at[dst_idx.at[pl.ds(j * CHUNK, CHUNK)]], sem,
            add=True)

    def wait_s(j, rows, sem):
        pltpu.make_async_copy(
            rows, agg_sh.at[dst_idx.at[pl.ds(j * CHUNK, CHUNK)]], sem).wait()

    bufs = ((rows0, semg0, sems0), (rows1, semg1, sems1),
            (rows2, semg2, sems2), (rows3, semg3, sems3),
            (rows4, semg4, sems4))

    def step(j, b, issue_next=True, first=False):
        rows, semg, sems = bufs[b]
        prows, psemg, psems = bufs[(b + NBUF - 1) % NBUF]
        wait_g(j, rows, semg)
        issue_s(j, rows, sems)
        if not first:
            wait_s(j - 1, prows, psems)
        if issue_next:
            issue_g(j + NBUF - 1, prows, psemg)

    for k in range(NBUF - 1):
        issue_g(k, bufs[k][0], bufs[k][1])

    @pl.when(s == 0)
    def _():
        pltpu.sync_copy(zeros_hbm, agg_sh)
    plsc.subcore_barrier()

    step(0, 0, first=True)

    def body(i, carry):
        j0 = NBUF * i + 1
        for k in range(NBUF):
            step(j0 + k, (1 + k) % NBUF)
        return carry

    lax.fori_loop(0, (NCHUNK - NBUF) // NBUF, body, 0)
    for j in range(NCHUNK - NBUF + 1, NCHUNK):
        step(j, j % NBUF, issue_next=False)
    wait_s(NCHUNK - 1, bufs[(NCHUNK - 1) % NBUF][0],
           bufs[(NCHUNK - 1) % NBUF][2])

    plsc.subcore_barrier()
    rbase = pl.multiple_of(s * 624, 8)

    @pl.when(s < NS - 1)
    def _():
        pltpu.sync_copy(agg_sh.at[pl.ds(rbase, 624)],
                        out_hbm.at[c, pl.ds(rbase, 624)])

    @pl.when(s == NS - 1)
    def _():
        pltpu.sync_copy(agg_sh.at[pl.ds((NS - 1) * 624, 640)],
                        out_hbm.at[c, pl.ds((NS - 1) * 624, 640)])


def _sc_agg(sup, src, dst, zeros):
    mesh = plsc.VectorSubcoreMesh(core_axis_name="c", subcore_axis_name="s")
    f = pl.kernel(
        _agg_body,
        out_type=jax.ShapeDtypeStruct((NC, N, D), jnp.float32),
        mesh=mesh,
        cost_estimate=pl.CostEstimate(
            flops=2 * E * D,
            bytes_accessed=2 * E * D * 4 + 3 * N * D * 4,
            transcendentals=0),
        scratch_types=[
            pltpu.VMEM((EDGES_PER_TILE,), jnp.int32),
            pltpu.VMEM((EDGES_PER_TILE,), jnp.int32),
        ] + [pltpu.VMEM((CHUNK, D), jnp.float32) for _ in range(NBUF)] + [
            pltpu.VMEM_SHARED((N, D), jnp.float32),
        ] + [pltpu.SemaphoreType.DMA for _ in range(2 * NBUF)],
    )
    return f(sup, src, dst, zeros)


def _post_body(p0_ref, p1_ref, sup_ref, x_ref, r_ref, w2_ref, w3_ref,
               w4_ref, b1_ref, b2_ref, b3_ref, b4_ref, eps_ref,
               o1_ref, o2_ref):
    eps = eps_ref[0]
    t = jax.nn.sigmoid(
        jnp.dot(r_ref[...], w2_ref[...], preferred_element_type=jnp.float32)
        + b2_ref[...])
    gate1 = (jnp.dot(x_ref[...], w3_ref[...],
                     preferred_element_type=jnp.float32) + b3_ref[...])
    out = (p0_ref[0] + p1_ref[0]) + eps * sup_ref[...] + b1_ref[...]
    out = jnp.maximum(out, 0.0)
    gate2 = (jnp.dot(out, w4_ref[...], preferred_element_type=jnp.float32)
             + b4_ref[...])
    gate = jax.nn.sigmoid(gate1 + gate2)
    o1_ref[...] = out + gate * (t - out)
    o2_ref[...] = t + gate * (out - t)


def _post(partials, sup, x, r, w2, w3, w4, b1, b2, b3, b4, eps):
    row = pl.BlockSpec((BLK, D), lambda i: (i, 0))
    par0 = pl.BlockSpec((1, BLK, D), lambda i: (0, i, 0))
    par1 = pl.BlockSpec((1, BLK, D), lambda i: (1, i, 0))
    mat = pl.BlockSpec((D, D), lambda i: (0, 0))
    vec = pl.BlockSpec((1, D), lambda i: (0, 0))
    sca = pl.BlockSpec(memory_space=pltpu.SMEM)
    out = jax.ShapeDtypeStruct((N, D), jnp.float32)
    return pl.pallas_call(
        _post_body,
        grid=(N // BLK,),
        in_specs=[par0, par1, row, row, row, mat, mat, mat,
                  vec, vec, vec, vec, sca],
        out_specs=[row, row],
        out_shape=[out, out],
    )(partials, partials, sup, x, r, w2, w3, w4,
      b1.reshape(1, D), b2.reshape(1, D), b3.reshape(1, D),
      b4.reshape(1, D), eps)


def kernel(input, res_input, edge_index, w1, w2, w3, w4, epsilo, b1, b2, b3, b4):
    src = edge_index[0].astype(jnp.int32)
    dst = edge_index[1].astype(jnp.int32)
    zeros = jnp.zeros((N, D), jnp.float32)

    support = _pre_sup(input, w1)
    partials = _sc_agg(support, src, dst, zeros)
    return _post(partials, support, input, res_input,
                 w2, w3, w4, b1, b2, b3, b4, epsilo)

# --- scband reference (transcript-rebuilt; emitter-appended) ---
"""Pipeline reference for scband-gated-graph-convolution-67439576481818 (READ-ONLY COPY).

The authoritative reference and input builder live on the scoring server;
editing this copy changes nothing except your own understanding.
"""

import jax, jax.numpy as jnp
import numpy as np

N = 10000
E = 320000
D = 128


def setup_inputs(seed: int = 0) -> dict:
    key = jax.random.key(seed)
    ks = jax.random.split(key, 16)
    stdv = 1.0 / np.sqrt(D)
    inp = {}
    inp["input"] = jax.random.normal(ks[0], (N, D), dtype=jnp.float32)
    inp["res_input"] = jax.random.normal(ks[1], (N, D), dtype=jnp.float32)
    inp["edge_index"] = jax.random.randint(ks[2], (2, E), 0, N)
    inp["w1"] = jax.random.uniform(ks[3], (D, D), minval=-stdv, maxval=stdv, dtype=jnp.float32)
    inp["w2"] = jax.random.uniform(ks[4], (D, D), minval=-stdv, maxval=stdv, dtype=jnp.float32)
    inp["w3"] = jax.random.uniform(ks[5], (D, D), minval=-stdv, maxval=stdv, dtype=jnp.float32)
    inp["w4"] = jax.random.uniform(ks[6], (D, D), minval=-stdv, maxval=stdv, dtype=jnp.float32)
    inp["epsilo"] = jax.random.uniform(ks[7], (1,), minval=1.0, maxval=2.0, dtype=jnp.float32)
    inp["b1"] = jax.random.uniform(ks[8], (D,), minval=-stdv, maxval=stdv, dtype=jnp.float32)
    inp["b2"] = jax.random.uniform(ks[9], (D,), minval=-stdv, maxval=stdv, dtype=jnp.float32)
    inp["b3"] = jax.random.uniform(ks[10], (D,), minval=-stdv, maxval=stdv, dtype=jnp.float32)
    inp["b4"] = jax.random.uniform(ks[11], (D,), minval=-stdv, maxval=stdv, dtype=jnp.float32)
    return inp


def reference(input, res_input, edge_index, w1, w2, w3, w4, epsilo, b1, b2, b3, b4):
    # dense mm branches of the torch forward
    support = input @ w1
    trans = res_input @ w2 + b2
    gate1 = input @ w3 + b3
    # adj is an unweighted sparse COO matrix built from edge_index;
    # spmm(adj, support) == scatter-add of support[src] into rows dst
    src = edge_index[0]
    dst = edge_index[1]
    agg = jax.ops.segment_sum(jnp.take(support, src, axis=0), dst, num_segments=input.shape[0])
    output = agg + epsilo * support + b1
    output = jax.nn.relu(output)
    trans = jax.nn.sigmoid(trans)
    gate2 = output @ w4 + b4
    gate = jax.nn.sigmoid(gate1 + gate2)
    return (output + gate * (trans - output), trans + gate * (output - trans))

if __name__ == "__main__":
    import jax
    _d = setup_inputs()
    print(jax.jit(kernel)(*tuple(_d.values())))

</pallas_src>

<mosaic_0001>
#map = affine_map<(d0, d1) -> (0, 0)>
#map1 = affine_map<(d0, d1) -> (0)>
#map2 = affine_map<(d0, d1) -> (0, 0, 0)>
module attributes {stable_mosaic.version = 14 : i64} {
  func.func @_agg_body(%arg0: i32, %arg1: i32, %arg2: memref<10000x128xf32, #tpu.memory_space<hbm>>, %arg3: memref<320000xi32, #tpu.memory_space<hbm>>, %arg4: memref<320000xi32, #tpu.memory_space<hbm>>, %arg5: memref<10000x128xf32, #tpu.memory_space<hbm>>, %arg6: memref<2x10000x128xf32, #tpu.memory_space<hbm>>, %arg7: memref<10000xi32, #tpu.memory_space<vmem>>, %arg8: memref<10000xi32, #tpu.memory_space<vmem>>, %arg9: memref<40x128xf32, #tpu.memory_space<vmem>>, %arg10: memref<40x128xf32, #tpu.memory_space<vmem>>, %arg11: memref<40x128xf32, #tpu.memory_space<vmem>>, %arg12: memref<40x128xf32, #tpu.memory_space<vmem>>, %arg13: memref<40x128xf32, #tpu.memory_space<vmem>>, %arg14: memref<10000x128xf32, #tpu.memory_space<vmem_shared>>, %arg15: memref<!tpu.dma_semaphore, #tpu.memory_space<semaphore_mem>>, %arg16: memref<!tpu.dma_semaphore, #tpu.memory_space<semaphore_mem>>, %arg17: memref<!tpu.dma_semaphore, #tpu.memory_space<semaphore_mem>>, %arg18: memref<!tpu.dma_semaphore, #tpu.memory_space<semaphore_mem>>, %arg19: memref<!tpu.dma_semaphore, #tpu.memory_space<semaphore_mem>>, %arg20: memref<!tpu.dma_semaphore, #tpu.memory_space<semaphore_mem>>, %arg21: memref<!tpu.dma_semaphore, #tpu.memory_space<semaphore_mem>>, %arg22: memref<!tpu.dma_semaphore, #tpu.memory_space<semaphore_mem>>, %arg23: memref<!tpu.dma_semaphore, #tpu.memory_space<semaphore_mem>>, %arg24: memref<!tpu.dma_semaphore, #tpu.memory_space<semaphore_mem>>) attributes {dimension_semantics = [#tpu.dimension_semantics<core_parallel>, #tpu.dimension_semantics<subcore_parallel>], iteration_bounds = array<i64: 2, 16>, scalar_prefetch = 0 : i64, scratch_operands = 18 : i64, tpu.core_type = #tpu.core_type<sc_vector_subcore>, window_params = [{transform_indices = #map}, {transform_indices = #map1}, {transform_indices = #map1}, {transform_indices = #map}, {transform_indices = #map2}]} {
    %mul3A = arith.constant 16 : i32
    %mul3A_0 = arith.muli %arg0, %mul3A : i32
    %add3A = arith.addi %mul3A_0, %arg1 : i32
    %mul3A_1 = arith.constant 10000 : i32
    %mul3A_2 = arith.muli %add3A, %mul3A_1 : i32
    %multiple_of3A = tpu.assume_multiple %mul3A_2, 8 : i32
    "tpu.region"() ({
      %run_scoped3A = tpu.sem_alloc : memref<!tpu.dma_semaphore, #tpu.memory_space<semaphore_mem>>
      %dma_start3A_121 = tpu.memref_slice %arg3[%multiple_of3A] : memref<320000xi32, #tpu.memory_space<hbm>> -> memref<10000xi32, #tpu.memory_space<hbm>>
      %dma_start3A_122 = tpu.memref_slice %arg3[%multiple_of3A] : memref<320000xi32, #tpu.memory_space<hbm>> -> memref<10000xi32, #tpu.memory_space<hbm>>
      tpu.enqueue_dma source(%dma_start3A_122 : memref<10000xi32, #tpu.memory_space<hbm>>) target(%arg7 : memref<10000xi32, #tpu.memory_space<vmem>>) target_semaphore(%run_scoped3A : memref<!tpu.dma_semaphore, #tpu.memory_space<semaphore_mem>>)
      %dma_wait3A_123 = tpu.memref_slice %arg3[%multiple_of3A] : memref<320000xi32, #tpu.memory_space<hbm>> -> memref<10000xi32, #tpu.memory_space<hbm>>
      %dma_wait3A_124 = tpu.memref_slice %arg3[%multiple_of3A] : memref<320000xi32, #tpu.memory_space<hbm>> -> memref<10000xi32, #tpu.memory_space<hbm>>
      tpu.wait_dma2 semaphore(%run_scoped3A : memref<!tpu.dma_semaphore, #tpu.memory_space<semaphore_mem>>) src(%dma_wait3A_124 : memref<10000xi32, #tpu.memory_space<hbm>>) dst(%arg7 : memref<10000xi32, #tpu.memory_space<vmem>>)
      tpu.yield
    }) : () -> ()
    "tpu.region"() ({
      %run_scoped3A = tpu.sem_alloc : memref<!tpu.dma_semaphore, #tpu.memory_space<semaphore_mem>>
      %dma_start3A_121 = tpu.memref_slice %arg4[%multiple_of3A] : memref<320000xi32, #tpu.memory_space<hbm>> -> memref<10000xi32, #tpu.memory_space<hbm>>
      %dma_start3A_122 = tpu.memref_slice %arg4[%multiple_of3A] : memref<320000xi32, #tpu.memory_space<hbm>> -> memref<10000xi32, #tpu.memory_space<hbm>>
      tpu.enqueue_dma source(%dma_start3A_122 : memref<10000xi32, #tpu.memory_space<hbm>>) target(%arg8 : memref<10000xi32, #tpu.memory_space<vmem>>) target_semaphore(%run_scoped3A : memref<!tpu.dma_semaphore, #tpu.memory_space<semaphore_mem>>)
      %dma_wait3A_123 = tpu.memref_slice %arg4[%multiple_of3A] : memref<320000xi32, #tpu.memory_space<hbm>> -> memref<10000xi32, #tpu.memory_space<hbm>>
      %dma_wait3A_124 = tpu.memref_slice %arg4[%multiple_of3A] : memref<320000xi32, #tpu.memory_space<hbm>> -> memref<10000xi32, #tpu.memory_space<hbm>>
      tpu.wait_dma2 semaphore(%run_scoped3A : memref<!tpu.dma_semaphore, #tpu.memory_space<semaphore_mem>>) src(%dma_wait3A_124 : memref<10000xi32, #tpu.memory_space<hbm>>) dst(%arg8 : memref<10000xi32, #tpu.memory_space<vmem>>)
      tpu.yield
    }) : () -> ()
    %dma_start3A = arith.constant 0 : i32
    %dma_start3A_3 = tpu.memref_slice %arg7[%dma_start3A] : memref<10000xi32, #tpu.memory_space<vmem>> -> memref<40xi32, #tpu.memory_space<vmem>>
    %dma_start3A_4 = arith.constant 0 : i32
    %dma_start3A_5 = arith.constant 0 : i32
    %dma_start3A_6 = tpu.memref_slice %arg2[%dma_start3A_4, %dma_start3A_5] : memref<10000x128xf32, #tpu.memory_space<hbm>> -> memref<10000x128xf32, #tpu.memory_space<hbm>>
    tpu.enqueue_indirect_dma source(%dma_start3A_6 : memref<10000x128xf32, #tpu.memory_space<hbm>>) target(%arg9 : memref<40x128xf32, #tpu.memory_space<vmem>>) offsets(%dma_start3A_3 : memref<40xi32, #tpu.memory_space<vmem>>) semaphore(%arg15 : memref<!tpu.dma_semaphore, #tpu.memory_space<semaphore_mem>>)
    %dma_start3A_7 = arith.constant 40 : i32
    %dma_start3A_8 = tpu.memref_slice %arg7[%dma_start3A_7] : memref<10000xi32, #tpu.memory_space<vmem>> -> memref<40xi32, #tpu.memory_space<vmem>>
    %dma_start3A_9 = arith.constant 0 : i32
    %dma_start3A_10 = arith.constant 0 : i32
    %dma_start3A_11 = tpu.memref_slice %arg2[%dma_start3A_9, %dma_start3A_10] : memref<10000x128xf32, #tpu.memory_space<hbm>> -> memref<10000x128xf32, #tpu.memory_space<hbm>>
    tpu.enqueue_indirect_dma source(%dma_start3A_11 : memref<10000x128xf32, #tpu.memory_space<hbm>>) target(%arg10 : memref<40x128xf32, #tpu.memory_space<vmem>>) offsets(%dma_start3A_8 : memref<40xi32, #tpu.memory_space<vmem>>) semaphore(%arg16 : memref<!tpu.dma_semaphore, #tpu.memory_space<semaphore_mem>>)
    %dma_start3A_12 = arith.constant 80 : i32
    %dma_start3A_13 = tpu.memref_slice %arg7[%dma_start3A_12] : memref<10000xi32, #tpu.memory_space<vmem>> -> memref<40xi32, #tpu.memory_space<vmem>>
    %dma_start3A_14 = arith.constant 0 : i32
    %dma_start3A_15 = arith.constant 0 : i32
    %dma_start3A_16 = tpu.memref_slice %arg2[%dma_start3A_14, %dma_start3A_15] : memref<10000x128xf32, #tpu.memory_space<hbm>> -> memref<10000x128xf32, #tpu.memory_space<hbm>>
    tpu.enqueue_indirect_dma source(%dma_start3A_16 : memref<10000x128xf32, #tpu.memory_space<hbm>>) target(%arg11 : memref<40x128xf32, #tpu.memory_space<vmem>>) offsets(%dma_start3A_13 : memref<40xi32, #tpu.memory_space<vmem>>) semaphore(%arg17 : memref<!tpu.dma_semaphore, #tpu.memory_space<semaphore_mem>>)
    %dma_start3A_17 = arith.constant 120 : i32
    %dma_start3A_18 = tpu.memref_slice %arg7[%dma_start3A_17] : memref<10000xi32, #tpu.memory_space<vmem>> -> memref<40xi32, #tpu.memory_space<vmem>>
    %dma_start3A_19 = arith.constant 0 : i32
    %dma_start3A_20 = arith.constant 0 : i32
    %dma_start3A_21 = tpu.memref_slice %arg2[%dma_start3A_19, %dma_start3A_20] : memref<10000x128xf32, #tpu.memory_space<hbm>> -> memref<10000x128xf32, #tpu.memory_space<hbm>>
    tpu.enqueue_indirect_dma source(%dma_start3A_21 : memref<10000x128xf32, #tpu.memory_space<hbm>>) target(%arg12 : memref<40x128xf32, #tpu.memory_space<vmem>>) offsets(%dma_start3A_18 : memref<40xi32, #tpu.memory_space<vmem>>) semaphore(%arg18 : memref<!tpu.dma_semaphore, #tpu.memory_space<semaphore_mem>>)
    %eq3A = arith.constant 0 : i32
    %eq3A_22 = arith.cmpi eq, %arg1, %eq3A : i32
    %convert_element_type3A = arith.extui %eq3A_22 : i1 to i32
    %cond3A = arith.constant 0 : i32
    %cond3A_23 = arith.cmpi ne, %convert_element_type3A, %cond3A : i32
    scf.if %cond3A_23 {
      "tpu.region"() ({
        %run_scoped3A = tpu.sem_alloc : memref<!tpu.dma_semaphore, #tpu.memory_space<semaphore_mem>>
        tpu.enqueue_dma source(%arg5 : memref<10000x128xf32, #tpu.memory_space<hbm>>) target(%arg14 : memref<10000x128xf32, #tpu.memory_space<vmem_shared>>) target_semaphore(%run_scoped3A : memref<!tpu.dma_semaphore, #tpu.memory_space<semaphore_mem>>)
        tpu.wait_dma2 semaphore(%run_scoped3A : memref<!tpu.dma_semaphore, #tpu.memory_space<semaphore_mem>>) src(%arg5 : memref<10000x128xf32, #tpu.memory_space<hbm>>) dst(%arg14 : memref<10000x128xf32, #tpu.memory_space<vmem_shared>>)
        tpu.yield
      }) : () -> ()
    } else {
    }
    %barrier3A = arith.constant 0 : index
    tpu.barrier barrier_id(%barrier3A)
    %dma_wait3A = arith.constant 0 : i32
    %dma_wait3A_24 = tpu.memref_slice %arg7[%dma_wait3A] : memref<10000xi32, #tpu.memory_space<vmem>> -> memref<40xi32, #tpu.memory_space<vmem>>
    %dma_wait3A_25 = arith.constant 0 : i32
    %dma_wait3A_26 = arith.constant 0 : i32
    %dma_wait3A_27 = tpu.memref_slice %arg2[%dma_wait3A_25, %dma_wait3A_26] : memref<10000x128xf32, #tpu.memory_space<hbm>> -> memref<10000x128xf32, #tpu.memory_space<hbm>>
    tpu.wait_indirect_dma semaphore(%arg15 : memref<!tpu.dma_semaphore, #tpu.memory_space<semaphore_mem>>) src(%dma_wait3A_27 : memref<10000x128xf32, #tpu.memory_space<hbm>>) dst(%arg9 : memref<40x128xf32, #tpu.memory_space<vmem>>)
    %dma_start3A_28 = arith.constant 0 : i32
    %dma_start3A_29 = tpu.memref_slice %arg8[%dma_start3A_28] : memref<10000xi32, #tpu.memory_space<vmem>> -> memref<40xi32, #tpu.memory_space<vmem>>
    %dma_start3A_30 = arith.constant 0 : i32
    %dma_start3A_31 = arith.constant 0 : i32
    %dma_start3A_32 = tpu.memref_slice %arg14[%dma_start3A_30, %dma_start3A_31] : memref<10000x128xf32, #tpu.memory_space<vmem_shared>> -> memref<10000x128xf32, #tpu.memory_space<vmem_shared>>
    tpu.enqueue_indirect_dma source(%arg9 : memref<40x128xf32, #tpu.memory_space<vmem>>) target(%dma_start3A_32 : memref<10000x128xf32, #tpu.memory_space<vmem_shared>>) offsets(%dma_start3A_29 : memref<40xi32, #tpu.memory_space<vmem>>) semaphore(%arg20 : memref<!tpu.dma_semaphore, #tpu.memory_space<semaphore_mem>>) {add = true}
    %dma_start3A_33 = arith.constant 160 : i32
    %dma_start3A_34 = tpu.memref_slice %arg7[%dma_start3A_33] : memref<10000xi32, #tpu.memory_space<vmem>> -> memref<40xi32, #tpu.memory_space<vmem>>
    %dma_start3A_35 = arith.constant 0 : i32
    %dma_start3A_36 = arith.constant 0 : i32
    %dma_start3A_37 = tpu.memref_slice %arg2[%dma_start3A_35, %dma_start3A_36] : memref<10000x128xf32, #tpu.memory_space<hbm>> -> memref<10000x128xf32, #tpu.memory_space<hbm>>
    tpu.enqueue_indirect_dma source(%dma_start3A_37 : memref<10000x128xf32, #tpu.memory_space<hbm>>) target(%arg13 : memref<40x128xf32, #tpu.memory_space<vmem>>) offsets(%dma_start3A_34 : memref<40xi32, #tpu.memory_space<vmem>>) semaphore(%arg19 : memref<!tpu.dma_semaphore, #tpu.memory_space<semaphore_mem>>)
    %scan3A = arith.constant 0 : i32
    %scan3A_38 = arith.constant 0 : i32
    %scan3A_39 = arith.constant 49 : i32
    %scan3A_40 = arith.addi %scan3A_38, %scan3A_39 : i32
    %scan3A_41 = arith.constant 1 : i32
    scf.for %scan3A_121 = %scan3A_38 to %scan3A_40 step %scan3A_41  : i32 {
      %mul3A_122 = arith.constant 5 : i32
      %mul3A_123 = arith.muli %mul3A_122, %scan3A_121 : i32
      %add3A_124 = arith.constant 1 : i32
      %add3A_125 = arith.addi %mul3A_123, %add3A_124 : i32
      %add3A_126 = arith.constant 0 : i32
      %add3A_127 = arith.addi %add3A_125, %add3A_126 : i32
      %mul3A_128 = arith.constant 40 : i32
      %mul3A_129 = arith.muli %add3A_127, %mul3A_128 : i32
      %dma_wait3A_130 = tpu.memref_slice %arg7[%mul3A_129] : memref<10000xi32, #tpu.memory_space<vmem>> -> memref<40xi32, #tpu.memory_space<vmem>>
      %dma_wait3A_131 = arith.constant 0 : i32
      %dma_wait3A_132 = arith.constant 0 : i32
      %dma_wait3A_133 = tpu.memref_slice %arg2[%dma_wait3A_131, %dma_wait3A_132] : memref<10000x128xf32, #tpu.memory_space<hbm>> -> memref<10000x128xf32, #tpu.memory_space<hbm>>
      tpu.wait_indirect_dma semaphore(%arg16 : memref<!tpu.dma_semaphore, #tpu.memory_space<semaphore_mem>>) src(%dma_wait3A_133 : memref<10000x128xf32, #tpu.memory_space<hbm>>) dst(%arg10 : memref<40x128xf32, #tpu.memory_space<vmem>>)
      %mul3A_134 = arith.constant 40 : i32
      %mul3A_135 = arith.muli %add3A_127, %mul3A_134 : i32
      %dma_start3A_136 = tpu.memref_slice %arg8[%mul3A_135] : memref<10000xi32, #tpu.memory_space<vmem>> -> memref<40xi32, #tpu.memory_space<vmem>>
      %dma_start3A_137 = arith.constant 0 : i32
      %dma_start3A_138 = arith.constant 0 : i32
      %dma_start3A_139 = tpu.memref_slice %arg14[%dma_start3A_137, %dma_start3A_138] : memref<10000x128xf32, #tpu.memory_space<vmem_shared>> -> memref<10000x128xf32, #tpu.memory_space<vmem_shared>>
      tpu.enqueue_indirect_dma source(%arg10 : memref<40x128xf32, #tpu.memory_space<vmem>>) target(%dma_start3A_139 : memref<10000x128xf32, #tpu.memory_space<vmem_shared>>) offsets(%dma_start3A_136 : memref<40xi32, #tpu.memory_space<vmem>>) semaphore(%arg21 : memref<!tpu.dma_semaphore, #tpu.memory_space<semaphore_mem>>) {add = true}
      %sub3A = arith.constant 1 : i32
      %sub3A_140 = arith.subi %add3A_127, %sub3A : i32
      %mul3A_141 = arith.constant 40 : i32
      %mul3A_142 = arith.muli %sub3A_140, %mul3A_141 : i32
      %dma_wait3A_143 = tpu.memref_slice %arg8[%mul3A_142] : memref<10000xi32, #tpu.memory_space<vmem>> -> memref<40xi32, #tpu.memory_space<vmem>>
      %dma_wait3A_144 = arith.constant 0 : i32
      %dma_wait3A_145 = arith.constant 0 : i32
      %dma_wait3A_146 = tpu.memref_slice %arg14[%dma_wait3A_144, %dma_wait3A_145] : memref<10000x128xf32, #tpu.memory_space<vmem_shared>> -> memref<10000x128xf32, #tpu.memory_space<vmem_shared>>
      tpu.wait_indirect_dma semaphore(%arg20 : memref<!tpu.dma_semaphore, #tpu.memory_space<semaphore_mem>>) src(%arg9 : memref<40x128xf32, #tpu.memory_space<vmem>>) dst(%dma_wait3A_146 : memref<10000x128xf32, #tpu.memory_space<vmem_shared>>)
      %add3A_147 = arith.constant 5 : i32
      %add3A_148 = arith.addi %add3A_127, %add3A_147 : i32
      %sub3A_149 = arith.constant 1 : i32
      %sub3A_150 = arith.subi %add3A_148, %sub3A_149 : i32
      %mul3A_151 = arith.constant 40 : i32
      %mul3A_152 = arith.muli %sub3A_150, %mul3A_151 : i32
      %dma_start3A_153 = tpu.memref_slice %arg7[%mul3A_152] : memref<10000xi32, #tpu.memory_space<vmem>> -> memref<40xi32, #tpu.memory_space<vmem>>
      %dma_start3A_154 = arith.constant 0 : i32
      %dma_start3A_155 = arith.constant 0 : i32
      %dma_start3A_156 = tpu.memref_slice %arg2[%dma_start3A_154, %dma_start3A_155] : memref<10000x128xf32, #tpu.memory_space<hbm>> -> memref<10000x128xf32, #tpu.memory_space<hbm>>
      tpu.enqueue_indirect_dma source(%dma_start3A_156 : memref<10000x128xf32, #tpu.memory_space<hbm>>) target(%arg9 : memref<40x128xf32, #tpu.memory_space<vmem>>) offsets(%dma_start3A_153 : memref<40xi32, #tpu.memory_space<vmem>>) semaphore(%arg15 : memref<!tpu.dma_semaphore, #tpu.memory_space<semaphore_mem>>)
      %add3A_157 = arith.constant 1 : i32
      %add3A_158 = arith.addi %add3A_125, %add3A_157 : i32
      %mul3A_159 = arith.constant 40 : i32
      %mul3A_160 = arith.muli %add3A_158, %mul3A_159 : i32
      %dma_wait3A_161 = tpu.memref_slice %arg7[%mul3A_160] : memref<10000xi32, #tpu.memory_space<vmem>> -> memref<40xi32, #tpu.memory_space<vmem>>
      %dma_wait3A_162 = arith.constant 0 : i32
      %dma_wait3A_163 = arith.constant 0 : i32
      %dma_wait3A_164 = tpu.memref_slice %arg2[%dma_wait3A_162, %dma_wait3A_163] : memref<10000x128xf32, #tpu.memory_space<hbm>> -> memref<10000x128xf32, #tpu.memory_space<hbm>>
      tpu.wait_indirect_dma semaphore(%arg17 : memref<!tpu.dma_semaphore, #tpu.memory_space<semaphore_mem>>) src(%dma_wait3A_164 : memref<10000x128xf32, #tpu.memory_space<hbm>>) dst(%arg11 : memref<40x128xf32, #tpu.memory_space<vmem>>)
      %mul3A_165 = arith.constant 40 : i32
      %mul3A_166 = arith.muli %add3A_158, %mul3A_165 : i32
      %dma_start3A_167 = tpu.memref_slice %arg8[%mul3A_166] : memref<10000xi32, #tpu.memory_space<vmem>> -> memref<40xi32, #tpu.memory_space<vmem>>
      %dma_start3A_168 = arith.constant 0 : i32
      %dma_start3A_169 = arith.constant 0 : i32
      %dma_start3A_170 = tpu.memref_slice %arg14[%dma_start3A_168, %dma_start3A_169] : memref<10000x128xf32, #tpu.memory_space<vmem_shared>> -> memref<10000x128xf32, #tpu.memory_space<vmem_shared>>
      tpu.enqueue_indirect_dma source(%arg11 : memref<40x128xf32, #tpu.memory_space<vmem>>) target(%dma_start3A_170 : memref<10000x128xf32, #tpu.memory_space<vmem_shared>>) offsets(%dma_start3A_167 : memref<40xi32, #tpu.memory_space<vmem>>) semaphore(%arg22 : memref<!tpu.dma_semaphore, #tpu.memory_space<semaphore_mem>>) {add = true}
      %sub3A_171 = arith.constant 1 : i32
      %sub3A_172 = arith.subi %add3A_158, %sub3A_171 : i32
      %mul3A_173 = arith.constant 40 : i32
      %mul3A_174 = arith.muli %sub3A_172, %mul3A_173 : i32
      %dma_wait3A_175 = tpu.memref_slice %arg8[%mul3A_174] : memref<10000xi32, #tpu.memory_space<vmem>> -> memref<40xi32, #tpu.memory_space<vmem>>
      %dma_wait3A_176 = arith.constant 0 : i32
      %dma_wait3A_177 = arith.constant 0 : i32
      %dma_wait3A_178 = tpu.memref_slice %arg14[%dma_wait3A_176, %dma_wait3A_177] : memref<10000x128xf32, #tpu.memory_space<vmem_shared>> -> memref<10000x128xf32, #tpu.memory_space<vmem_shared>>
      tpu.wait_indirect_dma semaphore(%arg21 : memref<!tpu.dma_semaphore, #tpu.memory_space<semaphore_mem>>) src(%arg10 : memref<40x128xf32, #tpu.memory_space<vmem>>) dst(%dma_wait3A_178 : memref<10000x128xf32, #tpu.memory_space<vmem_shared>>)
      %add3A_179 = arith.constant 5 : i32
      %add3A_180 = arith.addi %add3A_158, %add3A_179 : i32
      %sub3A_181 = arith.constant 1 : i32
      %sub3A_182 = arith.subi %add3A_180, %sub3A_181 : i32
      %mul3A_183 = arith.constant 40 : i32
      %mul3A_184 = arith.muli %sub3A_182, %mul3A_183 : i32
      %dma_start3A_185 = tpu.memref_slice %arg7[%mul3A_184] : memref<10000xi32, #tpu.memory_space<vmem>> -> memref<40xi32, #tpu.memory_space<vmem>>
      %dma_start3A_186 = arith.constant 0 : i32
      %dma_start3A_187 = arith.constant 0 : i32
      %dma_start3A_188 = tpu.memref_slice %arg2[%dma_start3A_186, %dma_start3A_187] : memref<10000x128xf32, #tpu.memory_space<hbm>> -> memref<10000x128xf32, #tpu.memory_space<hbm>>
      tpu.enqueue_indirect_dma source(%dma_start3A_188 : memref<10000x128xf32, #tpu.memory_space<hbm>>) target(%arg10 : memref<40x128xf32, #tpu.memory_space<vmem>>) offsets(%dma_start3A_185 : memref<40xi32, #tpu.memory_space<vmem>>) semaphore(%arg16 : memref<!tpu.dma_semaphore, #tpu.memory_space<semaphore_mem>>)
      %add3A_189 = arith.constant 2 : i32
      %add3A_190 = arith.addi %add3A_125, %add3A_189 : i32
      %mul3A_191 = arith.constant 40 : i32
      %mul3A_192 = arith.muli %add3A_190, %mul3A_191 : i32
      %dma_wait3A_193 = tpu.memref_slice %arg7[%mul3A_192] : memref<10000xi32, #tpu.memory_space<vmem>> -> memref<40xi32, #tpu.memory_space<vmem>>
      %dma_wait3A_194 = arith.constant 0 : i32
      %dma_wait3A_195 = arith.constant 0 : i32
      %dma_wait3A_196 = tpu.memref_slice %arg2[%dma_wait3A_194, %dma_wait3A_195] : memref<10000x128xf32, #tpu.memory_space<hbm>> -> memref<10000x128xf32, #tpu.memory_space<hbm>>
      tpu.wait_indirect_dma semaphore(%arg18 : memref<!tpu.dma_semaphore, #tpu.memory_space<semaphore_mem>>) src(%dma_wait3A_196 : memref<10000x128xf32, #tpu.memory_space<hbm>>) dst(%arg12 : memref<40x128xf32, #tpu.memory_space<vmem>>)
      %mul3A_197 = arith.constant 40 : i32
      %mul3A_198 = arith.muli %add3A_190, %mul3A_197 : i32
      %dma_start3A_199 = tpu.memref_slice %arg8[%mul3A_198] : memref<10000xi32, #tpu.memory_space<vmem>> -> memref<40xi32, #tpu.memory_space<vmem>>
      %dma_start3A_200 = arith.constant 0 : i32
      %dma_start3A_201 = arith.constant 0 : i32
      %dma_start3A_202 = tpu.memref_slice %arg14[%dma_start3A_200, %dma_start3A_201] : memref<10000x128xf32, #tpu.memory_space<vmem_shared>> -> memref<10000x128xf32, #tpu.memory_space<vmem_shared>>
      tpu.enqueue_indirect_dma source(%arg12 : memref<40x128xf32, #tpu.memory_space<vmem>>) target(%dma_start3A_202 : memref<10000x128xf32, #tpu.memory_space<vmem_shared>>) offsets(%dma_start3A_199 : memref<40xi32, #tpu.memory_space<vmem>>) semaphore(%arg23 : memref<!tpu.dma_semaphore, #tpu.memory_space<semaphore_mem>>) {add = true}
      %sub3A_203 = arith.constant 1 : i32
      %sub3A_204 = arith.subi %add3A_190, %sub3A_203 : i32
      %mul3A_205 = arith.constant 40 : i32
      %mul3A_206 = arith.muli %sub3A_204, %mul3A_205 : i32
      %dma_wait3A_207 = tpu.memref_slice %arg8[%mul3A_206] : memref<10000xi32, #tpu.memory_space<vmem>> -> memref<40xi32, #tpu.memory_space<vmem>>
      %dma_wait3A_208 = arith.constant 0 : i32
      %dma_wait3A_209 = arith.constant 0 : i32
      %dma_wait3A_210 = tpu.memref_slice %arg14[%dma_wait3A_208, %dma_wait3A_209] : memref<10000x128xf32, #tpu.memory_space<vmem_shared>> -> memref<10000x128xf32, #tpu.memory_space<vmem_shared>>
      tpu.wait_indirect_dma semaphore(%arg22 : memref<!tpu.dma_semaphore, #tpu.memory_space<semaphore_mem>>) src(%arg11 : memref<40x128xf32, #tpu.memory_space<vmem>>) dst(%dma_wait3A_210 : memref<10000x128xf32, #tpu.memory_space<vmem_shared>>)
      %add3A_211 = arith.constant 5 : i32
      %add3A_212 = arith.addi %add3A_190, %add3A_211 : i32
      %sub3A_213 = arith.constant 1 : i32
      %sub3A_214 = arith.subi %add3A_212, %sub3A_213 : i32
      %mul3A_215 = arith.constant 40 : i32
      %mul3A_216 = arith.muli %sub3A_214, %mul3A_215 : i32
      %dma_start3A_217 = tpu.memref_slice %arg7[%mul3A_216] : memref<10000xi32, #tpu.memory_space<vmem>> -> memref<40xi32, #tpu.memory_space<vmem>>
      %dma_start3A_218 = arith.constant 0 : i32
      %dma_start3A_219 = arith.constant 0 : i32
      %dma_start3A_220 = tpu.memref_slice %arg2[%dma_start3A_218, %dma_start3A_219] : memref<10000x128xf32, #tpu.memory_space<hbm>> -> memref<10000x128xf32, #tpu.memory_space<hbm>>
      tpu.enqueue_indirect_dma source(%dma_start3A_220 : memref<10000x128xf32, #tpu.memory_space<hbm>>) target(%arg11 : memref<40x128xf32, #tpu.memory_space<vmem>>) offsets(%dma_start3A_217 : memref<40xi32, #tpu.memory_space<vmem>>) semaphore(%arg17 : memref<!tpu.dma_semaphore, #tpu.memory_space<semaphore_mem>>)
      %add3A_221 = arith.constant 3 : i32
      %add3A_222 = arith.addi %add3A_125, %add3A_221 : i32
      %mul3A_223 = arith.constant 40 : i32
      %mul3A_224 = arith.muli %add3A_222, %mul3A_223 : i32
      %dma_wait3A_225 = tpu.memref_slice %arg7[%mul3A_224] : memref<10000xi32, #tpu.memory_space<vmem>> -> memref<40xi32, #tpu.memory_space<vmem>>
      %dma_wait3A_226 = arith.constant 0 : i32
      %dma_wait3A_227 = arith.constant 0 : i32
      %dma_wait3A_228 = tpu.memref_slice %arg2[%dma_wait3A_226, %dma_wait3A_227] : memref<10000x128xf32, #tpu.memory_space<hbm>> -> memref<10000x128xf32, #tpu.memory_space<hbm>>
      tpu.wait_indirect_dma semaphore(%arg19 : memref<!tpu.dma_semaphore, #tpu.memory_space<semaphore_mem>>) src(%dma_wait3A_228 : memref<10000x128xf32, #tpu.memory_space<hbm>>) dst(%arg13 : memref<40x128xf32, #tpu.memory_space<vmem>>)
      %mul3A_229 = arith.constant 40 : i32
      %mul3A_230 = arith.muli %add3A_222, %mul3A_229 : i32
      %dma_start3A_231 = tpu.memref_slice %arg8[%mul3A_230] : memref<10000xi32, #tpu.memory_space<vmem>> -> memref<40xi32, #tpu.memory_space<vmem>>
      %dma_start3A_232 = arith.constant 0 : i32
      %dma_start3A_233 = arith.constant 0 : i32
      %dma_start3A_234 = tpu.memref_slice %arg14[%dma_start3A_232, %dma_start3A_233] : memref<10000x128xf32, #tpu.memory_space<vmem_shared>> -> memref<10000x128xf32, #tpu.memory_space<vmem_shared>>
      tpu.enqueue_indirect_dma source(%arg13 : memref<40x128xf32, #tpu.memory_space<vmem>>) target(%dma_start3A_234 : memref<10000x128xf32, #tpu.memory_space<vmem_shared>>) offsets(%dma_start3A_231 : memref<40xi32, #tpu.memory_space<vmem>>) semaphore(%arg24 : memref<!tpu.dma_semaphore, #tpu.memory_space<semaphore_mem>>) {add = true}
      %sub3A_235 = arith.constant 1 : i32
      %sub3A_236 = arith.subi %add3A_222, %sub3A_235 : i32
      %mul3A_237 = arith.constant 40 : i32
      %mul3A_238 = arith.muli %sub3A_236, %mul3A_237 : i32
      %dma_wait3A_239 = tpu.memref_slice %arg8[%mul3A_238] : memref<10000xi32, #tpu.memory_space<vmem>> -> memref<40xi32, #tpu.memory_space<vmem>>
      %dma_wait3A_240 = arith.constant 0 : i32
      %dma_wait3A_241 = arith.constant 0 : i32
      %dma_wait3A_242 = tpu.memref_slice %arg14[%dma_wait3A_240, %dma_wait3A_241] : memref<10000x128xf32, #tpu.memory_space<vmem_shared>> -> memref<10000x128xf32, #tpu.memory_space<vmem_shared>>
      tpu.wait_indirect_dma semaphore(%arg23 : memref<!tpu.dma_semaphore, #tpu.memory_space<semaphore_mem>>) src(%arg12 : memref<40x128xf32, #tpu.memory_space<vmem>>) dst(%dma_wait3A_242 : memref<10000x128xf32, #tpu.memory_space<vmem_shared>>)
      %add3A_243 = arith.constant 5 : i32
      %add3A_244 = arith.addi %add3A_222, %add3A_243 : i32
      %sub3A_245 = arith.constant 1 : i32
      %sub3A_246 = arith.subi %add3A_244, %sub3A_245 : i32
      %mul3A_247 = arith.constant 40 : i32
      %mul3A_248 = arith.muli %sub3A_246, %mul3A_247 : i32
      %dma_start3A_249 = tpu.memref_slice %arg7[%mul3A_248] : memref<10000xi32, #tpu.memory_space<vmem>> -> memref<40xi32, #tpu.memory_space<vmem>>
      %dma_start3A_250 = arith.constant 0 : i32
      %dma_start3A_251 = arith.constant 0 : i32
      %dma_start3A_252 = tpu.memref_slice %arg2[%dma_start3A_250, %dma_start3A_251] : memref<10000x128xf32, #tpu.memory_space<hbm>> -> memref<10000x128xf32, #tpu.memory_space<hbm>>
      tpu.enqueue_indirect_dma source(%dma_start3A_252 : memref<10000x128xf32, #tpu.memory_space<hbm>>) target(%arg12 : memref<40x128xf32, #tpu.memory_space<vmem>>) offsets(%dma_start3A_249 : memref<40xi32, #tpu.memory_space<vmem>>) semaphore(%arg18 : memref<!tpu.dma_semaphore, #tpu.memory_space<semaphore_mem>>)
      %add3A_253 = arith.constant 4 : i32
      %add3A_254 = arith.addi %add3A_125, %add3A_253 : i32
      %mul3A_255 = arith.constant 40 : i32
      %mul3A_256 = arith.muli %add3A_254, %mul3A_255 : i32
      %dma_wait3A_257 = tpu.memref_slice %arg7[%mul3A_256] : memref<10000xi32, #tpu.memory_space<vmem>> -> memref<40xi32, #tpu.memory_space<vmem>>
      %dma_wait3A_258 = arith.constant 0 : i32
      %dma_wait3A_259 = arith.constant 0 : i32
      %dma_wait3A_260 = tpu.memref_slice %arg2[%dma_wait3A_258, %dma_wait3A_259] : memref<10000x128xf32, #tpu.memory_space<hbm>> -> memref<10000x128xf32, #tpu.memory_space<hbm>>
      tpu.wait_indirect_dma semaphore(%arg15 : memref<!tpu.dma_semaphore, #tpu.memory_space<semaphore_mem>>) src(%dma_wait3A_260 : memref<10000x128xf32, #tpu.memory_space<hbm>>) dst(%arg9 : memref<40x128xf32, #tpu.memory_space<vmem>>)
      %mul3A_261 = arith.constant 40 : i32
      %mul3A_262 = arith.muli %add3A_254, %mul3A_261 : i32
      %dma_start3A_263 = tpu.memref_slice %arg8[%mul3A_262] : memref<10000xi32, #tpu.memory_space<vmem>> -> memref<40xi32, #tpu.memory_space<vmem>>
      %dma_start3A_264 = arith.constant 0 : i32
      %dma_start3A_265 = arith.constant 0 : i32
      %dma_start3A_266 = tpu.memref_slice %arg14[%dma_start3A_264, %dma_start3A_265] : memref<10000x128xf32, #tpu.memory_space<vmem_shared>> -> memref<10000x128xf32, #tpu.memory_space<vmem_shared>>
      tpu.enqueue_indirect_dma source(%arg9 : memref<40x128xf32, #tpu.memory_space<vmem>>) target(%dma_start3A_266 : memref<10000x128xf32, #tpu.memory_space<vmem_shared>>) offsets(%dma_start3A_263 : memref<40xi32, #tpu.memory_space<vmem>>) semaphore(%arg20 : memref<!tpu.dma_semaphore, #tpu.memory_space<semaphore_mem>>) {add = true}
      %sub3A_267 = arith.constant 1 : i32
      %sub3A_268 = arith.subi %add3A_254, %sub3A_267 : i32
      %mul3A_269 = arith.constant 40 : i32
      %mul3A_270 = arith.muli %sub3A_268, %mul3A_269 : i32
      %dma_wait3A_271 = tpu.memref_slice %arg8[%mul3A_270] : memref<10000xi32, #tpu.memory_space<vmem>> -> memref<40xi32, #tpu.memory_space<vmem>>
      %dma_wait3A_272 = arith.constant 0 : i32
      %dma_wait3A_273 = arith.constant 0 : i32
      %dma_wait3A_274 = tpu.memref_slice %arg14[%dma_wait3A_272, %dma_wait3A_273] : memref<10000x128xf32, #tpu.memory_space<vmem_shared>> -> memref<10000x128xf32, #tpu.memory_space<vmem_shared>>
      tpu.wait_indirect_dma semaphore(%arg24 : memref<!tpu.dma_semaphore, #tpu.memory_space<semaphore_mem>>) src(%arg13 : memref<40x128xf32, #tpu.memory_space<vmem>>) dst(%dma_wait3A_274 : memref<10000x128xf32, #tpu.memory_space<vmem_shared>>)
      %add3A_275 = arith.constant 5 : i32
      %add3A_276 = arith.addi %add3A_254, %add3A_275 : i32
      %sub3A_277 = arith.constant 1 : i32
      %sub3A_278 = arith.subi %add3A_276, %sub3A_277 : i32
      %mul3A_279 = arith.constant 40 : i32
      %mul3A_280 = arith.muli %sub3A_278, %mul3A_279 : i32
      %dma_start3A_281 = tpu.memref_slice %arg7[%mul3A_280] : memref<10000xi32, #tpu.memory_space<vmem>> -> memref<40xi32, #tpu.memory_space<vmem>>
      %dma_start3A_282 = arith.constant 0 : i32
      %dma_start3A_283 = arith.constant 0 : i32
      %dma_start3A_284 = tpu.memref_slice %arg2[%dma_start3A_282, %dma_start3A_283] : memref<10000x128xf32, #tpu.memory_space<hbm>> -> memref<10000x128xf32, #tpu.memory_space<hbm>>
      tpu.enqueue_indirect_dma source(%dma_start3A_284 : memref<10000x128xf32, #tpu.memory_space<hbm>>) target(%arg13 : memref<40x128xf32, #tpu.memory_space<vmem>>) offsets(%dma_start3A_281 : memref<40xi32, #tpu.memory_space<vmem>>) semaphore(%arg19 : memref<!tpu.dma_semaphore, #tpu.memory_space<semaphore_mem>>)
    }
    %scan3A_42 = arith.constant 49 : i32
    %dma_wait3A_43 = arith.constant 9840 : i32
    %dma_wait3A_44 = tpu.memref_slice %arg7[%dma_wait3A_43] : memref<10000xi32, #tpu.memory_space<vmem>> -> memref<40xi32, #tpu.memory_space<vmem>>
    %dma_wait3A_45 = arith.constant 0 : i32
    %dma_wait3A_46 = arith.constant 0 : i32
    %dma_wait3A_47 = tpu.memref_slice %arg2[%dma_wait3A_45, %dma_wait3A_46] : memref<10000x128xf32, #tpu.memory_space<hbm>> -> memref<10000x128xf32, #tpu.memory_space<hbm>>
    tpu.wait_indirect_dma semaphore(%arg16 : memref<!tpu.dma_semaphore, #tpu.memory_space<semaphore_mem>>) src(%dma_wait3A_47 : memref<10000x128xf32, #tpu.memory_space<hbm>>) dst(%arg10 : memref<40x128xf32, #tpu.memory_space<vmem>>)
    %dma_start3A_48 = arith.constant 9840 : i32
    %dma_start3A_49 = tpu.memref_slice %arg8[%dma_start3A_48] : memref<10000xi32, #tpu.memory_space<vmem>> -> memref<40xi32, #tpu.memory_space<vmem>>
    %dma_start3A_50 = arith.constant 0 : i32
    %dma_start3A_51 = arith.constant 0 : i32
    %dma_start3A_52 = tpu.memref_slice %arg14[%dma_start3A_50, %dma_start3A_51] : memref<10000x128xf32, #tpu.memory_space<vmem_shared>> -> memref<10000x128xf32, #tpu.memory_space<vmem_shared>>
    tpu.enqueue_indirect_dma source(%arg10 : memref<40x128xf32, #tpu.memory_space<vmem>>) target(%dma_start3A_52 : memref<10000x128xf32, #tpu.memory_space<vmem_shared>>) offsets(%dma_start3A_49 : memref<40xi32, #tpu.memory_space<vmem>>) semaphore(%arg21 : memref<!tpu.dma_semaphore, #tpu.memory_space<semaphore_mem>>) {add = true}
    %dma_wait3A_53 = arith.constant 9800 : i32
    %dma_wait3A_54 = tpu.memref_slice %arg8[%dma_wait3A_53] : memref<10000xi32, #tpu.memory_space<vmem>> -> memref<40xi32, #tpu.memory_space<vmem>>
    %dma_wait3A_55 = arith.constant 0 : i32
    %dma_wait3A_56 = arith.constant 0 : i32
    %dma_wait3A_57 = tpu.memref_slice %arg14[%dma_wait3A_55, %dma_wait3A_56] : memref<10000x128xf32, #tpu.memory_space<vmem_shared>> -> memref<10000x128xf32, #tpu.memory_space<vmem_shared>>
    tpu.wait_indirect_dma semaphore(%arg20 : memref<!tpu.dma_semaphore, #tpu.memory_space<semaphore_mem>>) src(%arg9 : memref<40x128xf32, #tpu.memory_space<vmem>>) dst(%dma_wait3A_57 : memref<10000x128xf32, #tpu.memory_space<vmem_shared>>)
    %dma_wait3A_58 = arith.constant 9880 : i32
    %dma_wait3A_59 = tpu.memref_slice %arg7[%dma_wait3A_58] : memref<10000xi32, #tpu.memory_space<vmem>> -> memref<40xi32, #tpu.memory_space<vmem>>
    %dma_wait3A_60 = arith.constant 0 : i32
    %dma_wait3A_61 = arith.constant 0 : i32
    %dma_wait3A_62 = tpu.memref_slice %arg2[%dma_wait3A_60, %dma_wait3A_61] : memref<10000x128xf32, #tpu.memory_space<hbm>> -> memref<10000x128xf32, #tpu.memory_space<hbm>>
    tpu.wait_indirect_dma semaphore(%arg17 : memref<!tpu.dma_semaphore, #tpu.memory_space<semaphore_mem>>) src(%dma_wait3A_62 : memref<10000x128xf32, #tpu.memory_space<hbm>>) dst(%arg11 : memref<40x128xf32, #tpu.memory_space<vmem>>)
    %dma_start3A_63 = arith.constant 9880 : i32
    %dma_start3A_64 = tpu.memref_slice %arg8[%dma_start3A_63] : memref<10000xi32, #tpu.memory_space<vmem>> -> memref<40xi32, #tpu.memory_space<vmem>>
    %dma_start3A_65 = arith.constant 0 : i32
    %dma_start3A_66 = arith.constant 0 : i32
    %dma_start3A_67 = tpu.memref_slice %arg14[%dma_start3A_65, %dma_start3A_66] : memref<10000x128xf32, #tpu.memory_space<vmem_shared>> -> memref<10000x128xf32, #tpu.memory_space<vmem_shared>>
    tpu.enqueue_indirect_dma source(%arg11 : memref<40x128xf32, #tpu.memory_space<vmem>>) target(%dma_start3A_67 : memref<10000x128xf32, #tpu.memory_space<vmem_shared>>) offsets(%dma_start3A_64 : memref<40xi32, #tpu.memory_space<vmem>>) semaphore(%arg22 : memref<!tpu.dma_semaphore, #tpu.memory_space<semaphore_mem>>) {add = true}
    %dma_wait3A_68 = arith.constant 9840 : i32
    %dma_wait3A_69 = tpu.memref_slice %arg8[%dma_wait3A_68] : memref<10000xi32, #tpu.memory_space<vmem>> -> memref<40xi32, #tpu.memory_space<vmem>>
    %dma_wait3A_70 = arith.constant 0 : i32
    %dma_wait3A_71 = arith.constant 0 : i32
    %dma_wait3A_72 = tpu.memref_slice %arg14[%dma_wait3A_70, %dma_wait3A_71] : memref<10000x128xf32, #tpu.memory_space<vmem_shared>> -> memref<10000x128xf32, #tpu.memory_space<vmem_shared>>
    tpu.wait_indirect_dma semaphore(%arg21 : memref<!tpu.dma_semaphore, #tpu.memory_space<semaphore_mem>>) src(%arg10 : memref<40x128xf32, #tpu.memory_space<vmem>>) dst(%dma_wait3A_72 : memref<10000x128xf32, #tpu.memory_space<vmem_shared>>)
    %dma_wait3A_73 = arith.constant 9920 : i32
    %dma_wait3A_74 = tpu.memref_slice %arg7[%dma_wait3A_73] : memref<10000xi32, #tpu.memory_space<vmem>> -> memref<40xi32, #tpu.memory_space<vmem>>
    %dma_wait3A_75 = arith.constant 0 : i32
    %dma_wait3A_76 = arith.constant 0 : i32
    %dma_wait3A_77 = tpu.memref_slice %arg2[%dma_wait3A_75, %dma_wait3A_76] : memref<10000x128xf32, #tpu.memory_space<hbm>> -> memref<10000x128xf32, #tpu.memory_space<hbm>>
    tpu.wait_indirect_dma semaphore(%arg18 : memref<!tpu.dma_semaphore, #tpu.memory_space<semaphore_mem>>) src(%dma_wait3A_77 : memref<10000x128xf32, #tpu.memory_space<hbm>>) dst(%arg12 : memref<40x128xf32, #tpu.memory_space<vmem>>)
    %dma_start3A_78 = arith.constant 9920 : i32
    %dma_start3A_79 = tpu.memref_slice %arg8[%dma_start3A_78] : memref<10000xi32, #tpu.memory_space<vmem>> -> memref<40xi32, #tpu.memory_space<vmem>>
    %dma_start3A_80 = arith.constant 0 : i32
    %dma_start3A_81 = arith.constant 0 : i32
    %dma_start3A_82 = tpu.memref_slice %arg14[%dma_start3A_80, %dma_start3A_81] : memref<10000x128xf32, #tpu.memory_space<vmem_shared>> -> memref<10000x128xf32, #tpu.memory_space<vmem_shared>>
    tpu.enqueue_indirect_dma source(%arg12 : memref<40x128xf32, #tpu.memory_space<vmem>>) target(%dma_start3A_82 : memref<10000x128xf32, #tpu.memory_space<vmem_shared>>) offsets(%dma_start3A_79 : memref<40xi32, #tpu.memory_space<vmem>>) semaphore(%arg23 : memref<!tpu.dma_semaphore, #tpu.memory_space<semaphore_mem>>) {add = true}
    %dma_wait3A_83 = arith.constant 9880 : i32
    %dma_wait3A_84 = tpu.memref_slice %arg8[%dma_wait3A_83] : memref<10000xi32, #tpu.memory_space<vmem>> -> memref<40xi32, #tpu.memory_space<vmem>>
    %dma_wait3A_85 = arith.constant 0 : i32
    %dma_wait3A_86 = arith.constant 0 : i32
    %dma_wait3A_87 = tpu.memref_slice %arg14[%dma_wait3A_85, %dma_wait3A_86] : memref<10000x128xf32, #tpu.memory_space<vmem_shared>> -> memref<10000x128xf32, #tpu.memory_space<vmem_shared>>
    tpu.wait_indirect_dma semaphore(%arg22 : memref<!tpu.dma_semaphore, #tpu.memory_space<semaphore_mem>>) src(%arg11 : memref<40x128xf32, #tpu.memory_space<vmem>>) dst(%dma_wait3A_87 : memref<10000x128xf32, #tpu.memory_space<vmem_shared>>)
    %dma_wait3A_88 = arith.constant 9960 : i32
    %dma_wait3A_89 = tpu.memref_slice %arg7[%dma_wait3A_88] : memref<10000xi32, #tpu.memory_space<vmem>> -> memref<40xi32, #tpu.memory_space<vmem>>
    %dma_wait3A_90 = arith.constant 0 : i32
    %dma_wait3A_91 = arith.constant 0 : i32
    %dma_wait3A_92 = tpu.memref_slice %arg2[%dma_wait3A_90, %dma_wait3A_91] : memref<10000x128xf32, #tpu.memory_space<hbm>> -> memref<10000x128xf32, #tpu.memory_space<hbm>>
    tpu.wait_indirect_dma semaphore(%arg19 : memref<!tpu.dma_semaphore, #tpu.memory_space<semaphore_mem>>) src(%dma_wait3A_92 : memref<10000x128xf32, #tpu.memory_space<hbm>>) dst(%arg13 : memref<40x128xf32, #tpu.memory_space<vmem>>)
    %dma_start3A_93 = arith.constant 9960 : i32
    %dma_start3A_94 = tpu.memref_slice %arg8[%dma_start3A_93] : memref<10000xi32, #tpu.memory_space<vmem>> -> memref<40xi32, #tpu.memory_space<vmem>>
    %dma_start3A_95 = arith.constant 0 : i32
    %dma_start3A_96 = arith.constant 0 : i32
    %dma_start3A_97 = tpu.memref_slice %arg14[%dma_start3A_95, %dma_start3A_96] : memref<10000x128xf32, #tpu.memory_space<vmem_shared>> -> memref<10000x128xf32, #tpu.memory_space<vmem_shared>>
    tpu.enqueue_indirect_dma source(%arg13 : memref<40x128xf32, #tpu.memory_space<vmem>>) target(%dma_start3A_97 : memref<10000x128xf32, #tpu.memory_space<vmem_shared>>) offsets(%dma_start3A_94 : memref<40xi32, #tpu.memory_space<vmem>>) semaphore(%arg24 : memref<!tpu.dma_semaphore, #tpu.memory_space<semaphore_mem>>) {add = true}
    %dma_wait3A_98 = arith.constant 9920 : i32
    %dma_wait3A_99 = tpu.memref_slice %arg8[%dma_wait3A_98] : memref<10000xi32, #tpu.memory_space<vmem>> -> memref<40xi32, #tpu.memory_space<vmem>>
    %dma_wait3A_100 = arith.constant 0 : i32
    %dma_wait3A_101 = arith.constant 0 : i32
    %dma_wait3A_102 = tpu.memref_slice %arg14[%dma_wait3A_100, %dma_wait3A_101] : memref<10000x128xf32, #tpu.memory_space<vmem_shared>> -> memref<10000x128xf32, #tpu.memory_space<vmem_shared>>
    tpu.wait_indirect_dma semaphore(%arg23 : memref<!tpu.dma_semaphore, #tpu.memory_space<semaphore_mem>>) src(%arg12 : memref<40x128xf32, #tpu.memory_space<vmem>>) dst(%dma_wait3A_102 : memref<10000x128xf32, #tpu.memory_space<vmem_shared>>)
    %dma_wait3A_103 = arith.constant 9960 : i32
    %dma_wait3A_104 = tpu.memref_slice %arg8[%dma_wait3A_103] : memref<10000xi32, #tpu.memory_space<vmem>> -> memref<40xi32, #tpu.memory_space<vmem>>
    %dma_wait3A_105 = arith.constant 0 : i32
    %dma_wait3A_106 = arith.constant 0 : i32
    %dma_wait3A_107 = tpu.memref_slice %arg14[%dma_wait3A_105, %dma_wait3A_106] : memref<10000x128xf32, #tpu.memory_space<vmem_shared>> -> memref<10000x128xf32, #tpu.memory_space<vmem_shared>>
    tpu.wait_indirect_dma semaphore(%arg24 : memref<!tpu.dma_semaphore, #tpu.memory_space<semaphore_mem>>) src(%arg13 : memref<40x128xf32, #tpu.memory_space<vmem>>) dst(%dma_wait3A_107 : memref<10000x128xf32, #tpu.memory_space<vmem_shared>>)
    %barrier3A_108 = arith.constant 0 : index
    tpu.barrier barrier_id(%barrier3A_108)
    %mul3A_109 = arith.constant 624 : i32
    %mul3A_110 = arith.muli %arg1, %mul3A_109 : i32
    %multiple_of3A_111 = tpu.assume_multiple %mul3A_110, 8 : i32
    %lt3A = arith.constant 15 : i32
    %lt3A_112 = arith.cmpi slt, %arg1, %lt3A : i32
    %convert_element_type3A_113 = arith.extui %lt3A_112 : i1 to i32
    %cond3A_114 = arith.constant 0 : i32
    %cond3A_115 = arith.cmpi ne, %convert_element_type3A_113, %cond3A_114 : i32
    scf.if %cond3A_115 {
      "tpu.region"() ({
        %run_scoped3A = tpu.sem_alloc : memref<!tpu.dma_semaphore, #tpu.memory_space<semaphore_mem>>
        %dma_start3A_121 = arith.constant 0 : i32
        %dma_start3A_122 = tpu.memref_slice %arg6[%arg0, %multiple_of3A_111, %dma_start3A_121] : memref<2x10000x128xf32, #tpu.memory_space<hbm>> -> memref<1x624x128xf32, #tpu.memory_space<hbm>>
        %dma_start3A_123 = tpu.memref_squeeze %dma_start3A_122 : memref<1x624x128xf32, #tpu.memory_space<hbm>> -> memref<624x128xf32, #tpu.memory_space<hbm>>
        %dma_start3A_124 = arith.constant 0 : i32
        %dma_start3A_125 = tpu.memref_slice %arg14[%multiple_of3A_111, %dma_start3A_124] : memref<10000x128xf32, #tpu.memory_space<vmem_shared>> -> memref<624x128xf32, #tpu.memory_space<vmem_shared>>
        tpu.enqueue_dma source(%dma_start3A_125 : memref<624x128xf32, #tpu.memory_space<vmem_shared>>) target(%dma_start3A_123 : memref<624x128xf32, #tpu.memory_space<hbm>>) target_semaphore(%run_scoped3A : memref<!tpu.dma_semaphore, #tpu.memory_space<semaphore_mem>>)
        %dma_wait3A_126 = arith.constant 0 : i32
        %dma_wait3A_127 = tpu.memref_slice %arg6[%arg0, %multiple_of3A_111, %dma_wait3A_126] : memref<2x10000x128xf32, #tpu.memory_space<hbm>> -> memref<1x624x128xf32, #tpu.memory_space<hbm>>
        %dma_wait3A_128 = tpu.memref_squeeze %dma_wait3A_127 : memref<1x624x128xf32, #tpu.memory_space<hbm>> -> memref<624x128xf32, #tpu.memory_space<hbm>>
        %dma_wait3A_129 = arith.constant 0 : i32
        %dma_wait3A_130 = tpu.memref_slice %arg14[%multiple_of3A_111, %dma_wait3A_129] : memref<10000x128xf32, #tpu.memory_space<vmem_shared>> -> memref<624x128xf32, #tpu.memory_space<vmem_shared>>
        tpu.wait_dma2 semaphore(%run_scoped3A : memref<!tpu.dma_semaphore, #tpu.memory_space<semaphore_mem>>) src(%dma_wait3A_130 : memref<624x128xf32, #tpu.memory_space<vmem_shared>>) dst(%dma_wait3A_128 : memref<624x128xf32, #tpu.memory_space<hbm>>)
        tpu.yield
      }) : () -> ()
    } else {
    }
    %eq3A_116 = arith.constant 15 : i32
    %eq3A_117 = arith.cmpi eq, %arg1, %eq3A_116 : i32
    %convert_element_type3A_118 = arith.extui %eq3A_117 : i1 to i32
    %cond3A_119 = arith.constant 0 : i32
    %cond3A_120 = arith.cmpi ne, %convert_element_type3A_118, %cond3A_119 : i32
    scf.if %cond3A_120 {
      "tpu.region"() ({
        %run_scoped3A = tpu.sem_alloc : memref<!tpu.dma_semaphore, #tpu.memory_space<semaphore_mem>>
        %dma_start3A_121 = arith.constant 9360 : i32
        %dma_start3A_122 = arith.constant 0 : i32
        %dma_start3A_123 = tpu.memref_slice %arg6[%arg0, %dma_start3A_121, %dma_start3A_122] : memref<2x10000x128xf32, #tpu.memory_space<hbm>> -> memref<1x640x128xf32, #tpu.memory_space<hbm>>
        %dma_start3A_124 = tpu.memref_squeeze %dma_start3A_123 : memref<1x640x128xf32, #tpu.memory_space<hbm>> -> memref<640x128xf32, #tpu.memory_space<hbm>>
        %dma_start3A_125 = arith.constant 9360 : i32
        %dma_start3A_126 = arith.constant 0 : i32
        %dma_start3A_127 = tpu.memref_slice %arg14[%dma_start3A_125, %dma_start3A_126] : memref<10000x128xf32, #tpu.memory_space<vmem_shared>> -> memref<640x128xf32, #tpu.memory_space<vmem_shared>>
        tpu.enqueue_dma source(%dma_start3A_127 : memref<640x128xf32, #tpu.memory_space<vmem_shared>>) target(%dma_start3A_124 : memref<640x128xf32, #tpu.memory_space<hbm>>) target_semaphore(%run_scoped3A : memref<!tpu.dma_semaphore, #tpu.memory_space<semaphore_mem>>)
        %dma_wait3A_128 = arith.constant 9360 : i32
        %dma_wait3A_129 = arith.constant 0 : i32
        %dma_wait3A_130 = tpu.memref_slice %arg6[%arg0, %dma_wait3A_128, %dma_wait3A_129] : memref<2x10000x128xf32, #tpu.memory_space<hbm>> -> memref<1x640x128xf32, #tpu.memory_space<hbm>>
        %dma_wait3A_131 = tpu.memref_squeeze %dma_wait3A_130 : memref<1x640x128xf32, #tpu.memory_space<hbm>> -> memref<640x128xf32, #tpu.memory_space<hbm>>
        %dma_wait3A_132 = arith.constant 9360 : i32
        %dma_wait3A_133 = arith.constant 0 : i32
        %dma_wait3A_134 = tpu.memref_slice %arg14[%dma_wait3A_132, %dma_wait3A_133] : memref<10000x128xf32, #tpu.memory_space<vmem_shared>> -> memref<640x128xf32, #tpu.memory_space<vmem_shared>>
        tpu.wait_dma2 semaphore(%run_scoped3A : memref<!tpu.dma_semaphore, #tpu.memory_space<semaphore_mem>>) src(%dma_wait3A_134 : memref<640x128xf32, #tpu.memory_space<vmem_shared>>) dst(%dma_wait3A_131 : memref<640x128xf32, #tpu.memory_space<hbm>>)
        tpu.yield
      }) : () -> ()
    } else {
    }
    return
  }
}

module attributes {stable_mosaic.version = 14 : i64} {
  func.func @_post_body(%arg0: i32, %arg1: memref<1x2000x128xf32, #tpu.memory_space<vmem>>, %arg2: memref<1x2000x128xf32, #tpu.memory_space<vmem>>, %arg3: memref<2000x128xf32, #tpu.memory_space<vmem>>, %arg4: memref<2000x128xf32, #tpu.memory_space<vmem>>, %arg5: memref<2000x128xf32, #tpu.memory_space<vmem>>, %arg6: memref<128x128xf32, #tpu.memory_space<vmem>>, %arg7: memref<128x128xf32, #tpu.memory_space<vmem>>, %arg8: memref<128x128xf32, #tpu.memory_space<vmem>>, %arg9: memref<1x128xf32, #tpu.memory_space<vmem>>, %arg10: memref<1x128xf32, #tpu.memory_space<vmem>>, %arg11: memref<1x128xf32, #tpu.memory_space<vmem>>, %arg12: memref<1x128xf32, #tpu.memory_space<vmem>>, %arg13: memref<1xf32, #tpu.memory_space<smem>>, %arg14: memref<2000x128xf32, #tpu.memory_space<vmem>>, %arg15: memref<2000x128xf32, #tpu.memory_space<vmem>>) attributes {dimension_semantics = [#tpu.dimension_semantics<arbitrary>], iteration_bounds = array<i64: 5>, scalar_prefetch = 0 : i64, scratch_operands = 0 : i64, tpu.core_type = #tpu.core_type<tc>, window_params = [{transform_indices = @transform_0, window_bounds = array<i64: 1, 2000, 128>}, {transform_indices = @transform_1, window_bounds = array<i64: 1, 2000, 128>}, {transform_indices = @transform_2, window_bounds = array<i64: 2000, 128>}, {transform_indices = @transform_3, window_bounds = array<i64: 2000, 128>}, {transform_indices = @transform_4, window_bounds = array<i64: 2000, 128>}, {pipeline_mode = #tpu.pipeline_mode<synchronous>, transform_indices = @transform_5, window_bounds = array<i64: 128, 128>}, {pipeline_mode = #tpu.pipeline_mode<synchronous>, transform_indices = @transform_6, window_bounds = array<i64: 128, 128>}, {pipeline_mode = #tpu.pipeline_mode<synchronous>, transform_indices = @transform_7, window_bounds = array<i64: 128, 128>}, {pipeline_mode = #tpu.pipeline_mode<synchronous>, transform_indices = @transform_8, window_bounds = array<i64: 1, 128>}, {pipeline_mode = #tpu.pipeline_mode<synchronous>, transform_indices = @transform_9, window_bounds = array<i64: 1, 128>}, {pipeline_mode = #tpu.pipeline_mode<synchronous>, transform_indices = @transform_10, window_bounds = array<i64: 1, 128>}, {pipeline_mode = #tpu.pipeline_mode<synchronous>, transform_indices = @transform_11, window_bounds = array<i64: 1, 128>}, {transform_indices = @transform_12, window_bounds = array<i64: 1>}, {transform_indices = @transform_13, window_bounds = array<i64: 2000, 128>}, {transform_indices = @transform_14, window_bounds = array<i64: 2000, 128>}]} {
    %get3A = arith.constant 0 : index
    %get3A_0 = memref.load %arg13[%get3A] : memref<1xf32, #tpu.memory_space<smem>>
    %get3A_1 = arith.constant 0 : index
    %get3A_2 = arith.constant 0 : index
    %get3A_3 = vector.load %arg5[%get3A_1, %get3A_2] : memref<2000x128xf32, #tpu.memory_space<vmem>>, vector<2000x128xf32>
    %get3A_4 = arith.constant 0 : index
    %get3A_5 = arith.constant 0 : index
    %get3A_6 = vector.load %arg6[%get3A_4, %get3A_5] : memref<128x128xf32, #tpu.memory_space<vmem>>, vector<128x128xf32>
    %dot_general3A = arith.constant dense<0.000000e+00> : vector<2000x128xf32>
    %dot_general3A_7 = tpu.matmul %get3A_3, %get3A_6, %dot_general3A {dimension_numbers = #tpu.dot_dimension_numbers<[1], [0], [0], [1], [0, 0, 1, 1], [], []>, transpose_lhs_hint = false} : vector<2000x128xf32>, vector<128x128xf32>, vector<2000x128xf32> -> vector<2000x128xf32>
    %get3A_8 = arith.constant 0 : index
    %get3A_9 = arith.constant 0 : index
    %get3A_10 = vector.load %arg10[%get3A_8, %get3A_9] : memref<1x128xf32, #tpu.memory_space<vmem>>, vector<1x128xf32>
    %add3A = vector.broadcast %get3A_10 : vector<1x128xf32> to vector<2000x128xf32>
    %add3A_11 = arith.addf %dot_general3A_7, %add3A : vector<2000x128xf32>
    %logistic3A = arith.negf %add3A_11 : vector<2000x128xf32>
    %logistic3A_12 = math.exp %logistic3A : vector<2000x128xf32>
    %logistic3A_13 = arith.constant 1.000000e+00 : f32
    %logistic3A_14 = vector.broadcast %logistic3A_13 : f32 to vector<2000x128xf32>
    %logistic3A_15 = arith.addf %logistic3A_14, %logistic3A_12 : vector<2000x128xf32>
    %logistic3A_16 = arith.divf %logistic3A_14, %logistic3A_15 : vector<2000x128xf32>
    %get3A_17 = arith.constant 0 : index
    %get3A_18 = arith.constant 0 : index
    %get3A_19 = vector.load %arg4[%get3A_17, %get3A_18] : memref<2000x128xf32, #tpu.memory_space<vmem>>, vector<2000x128xf32>
    %get3A_20 = arith.constant 0 : index
    %get3A_21 = arith.constant 0 : index
    %get3A_22 = vector.load %arg7[%get3A_20, %get3A_21] : memref<128x128xf32, #tpu.memory_space<vmem>>, vector<128x128xf32>
    %dot_general3A_23 = arith.constant dense<0.000000e+00> : vector<2000x128xf32>
    %dot_general3A_24 = tpu.matmul %get3A_19, %get3A_22, %dot_general3A_23 {dimension_numbers = #tpu.dot_dimension_numbers<[1], [0], [0], [1], [0, 0, 1, 1], [], []>, transpose_lhs_hint = false} : vector<2000x128xf32>, vector<128x128xf32>, vector<2000x128xf32> -> vector<2000x128xf32>
    %get3A_25 = arith.constant 0 : index
    %get3A_26 = arith.constant 0 : index
    %get3A_27 = vector.load %arg11[%get3A_25, %get3A_26] : memref<1x128xf32, #tpu.memory_space<vmem>>, vector<1x128xf32>
    %add3A_28 = vector.broadcast %get3A_27 : vector<1x128xf32> to vector<2000x128xf32>
    %add3A_29 = arith.addf %dot_general3A_24, %add3A_28 : vector<2000x128xf32>
    %get3A_30 = arith.constant 0 : index
    %get3A_31 = arith.constant 0 : index
    %get3A_32 = arith.constant 0 : index
    %get3A_33 = vector.load %arg1[%get3A_30, %get3A_31, %get3A_32] : memref<1x2000x128xf32, #tpu.memory_space<vmem>>, vector<1x2000x128xf32>
    %get3A_34 = vector.shape_cast %get3A_33 : vector<1x2000x128xf32> to vector<2000x128xf32>
    %get3A_35 = arith.constant 0 : index
    %get3A_36 = arith.constant 0 : index
    %get3A_37 = arith.constant 0 : index
    %get3A_38 = vector.load %arg2[%get3A_35, %get3A_36, %get3A_37] : memref<1x2000x128xf32, #tpu.memory_space<vmem>>, vector<1x2000x128xf32>
    %get3A_39 = vector.shape_cast %get3A_38 : vector<1x2000x128xf32> to vector<2000x128xf32>
    %add3A_40 = arith.addf %get3A_34, %get3A_39 : vector<2000x128xf32>
    %get3A_41 = arith.constant 0 : index
    %get3A_42 = arith.constant 0 : index
    %get3A_43 = vector.load %arg3[%get3A_41, %get3A_42] : memref<2000x128xf32, #tpu.memory_space<vmem>>, vector<2000x128xf32>
    %mul3A = vector.broadcast %get3A_0 : f32 to vector<2000x128xf32>
    %mul3A_44 = arith.mulf %mul3A, %get3A_43 : vector<2000x128xf32>
    %add3A_45 = arith.addf %add3A_40, %mul3A_44 : vector<2000x128xf32>
    %get3A_46 = arith.constant 0 : index
    %get3A_47 = arith.constant 0 : index
    %get3A_48 = vector.load %arg9[%get3A_46, %get3A_47] : memref<1x128xf32, #tpu.memory_space<vmem>>, vector<1x128xf32>
    %add3A_49 = vector.broadcast %get3A_48 : vector<1x128xf32> to vector<2000x128xf32>
    %add3A_50 = arith.addf %add3A_45, %add3A_49 : vector<2000x128xf32>
    %max3A = arith.constant 0.000000e+00 : f32
    %max3A_51 = vector.broadcast %max3A : f32 to vector<2000x128xf32>
    %max3A_52 = arith.maximumf %add3A_50, %max3A_51 : vector<2000x128xf32>
    %get3A_53 = arith.constant 0 : index
    %get3A_54 = arith.constant 0 : index
    %get3A_55 = vector.load %arg8[%get3A_53, %get3A_54] : memref<128x128xf32, #tpu.memory_space<vmem>>, vector<128x128xf32>
    %dot_general3A_56 = arith.constant dense<0.000000e+00> : vector<2000x128xf32>
    %dot_general3A_57 = tpu.matmul %max3A_52, %get3A_55, %dot_general3A_56 {dimension_numbers = #tpu.dot_dimension_numbers<[1], [0], [0], [1], [0, 0, 1, 1], [], []>, transpose_lhs_hint = false} : vector<2000x128xf32>, vector<128x128xf32>, vector<2000x128xf32> -> vector<2000x128xf32>
    %get3A_58 = arith.constant 0 : index
    %get3A_59 = arith.constant 0 : index
    %get3A_60 = vector.load %arg12[%get3A_58, %get3A_59] : memref<1x128xf32, #tpu.memory_space<vmem>>, vector<1x128xf32>
    %add3A_61 = vector.broadcast %get3A_60 : vector<1x128xf32> to vector<2000x128xf32>
    %add3A_62 = arith.addf %dot_general3A_57, %add3A_61 : vector<2000x128xf32>
    %add3A_63 = arith.addf %add3A_29, %add3A_62 : vector<2000x128xf32>
    %logistic3A_64 = arith.negf %add3A_63 : vector<2000x128xf32>
    %logistic3A_65 = math.exp %logistic3A_64 : vector<2000x128xf32>
    %logistic3A_66 = arith.constant 1.000000e+00 : f32
    %logistic3A_67 = vector.broadcast %logistic3A_66 : f32 to vector<2000x128xf32>
    %logistic3A_68 = arith.addf %logistic3A_67, %logistic3A_65 : vector<2000x128xf32>
    %logistic3A_69 = arith.divf %logistic3A_67, %logistic3A_68 : vector<2000x128xf32>
    %sub3A = arith.subf %logistic3A_16, %max3A_52 : vector<2000x128xf32>
    %mul3A_70 = arith.mulf %logistic3A_69, %sub3A : vector<2000x128xf32>
    %add3A_71 = arith.addf %max3A_52, %mul3A_70 : vector<2000x128xf32>
    %swap3A = arith.constant 0 : index
    %swap3A_72 = arith.constant 0 : index
    %swap3A_73 = vector.load %arg14[%swap3A, %swap3A_72] : memref<2000x128xf32, #tpu.memory_space<vmem>>, vector<2000x128xf32>
    tpu.vector_store %arg14[%swap3A, %swap3A_72], %add3A_71 {strides = array<i32>} : memref<2000x128xf32, #tpu.memory_space<vmem>>, vector<2000x128xf32>,
    %sub3A_74 = arith.subf %max3A_52, %logistic3A_16 : vector<2000x128xf32>
    %mul3A_75 = arith.mulf %logistic3A_69, %sub3A_74 : vector<2000x128xf32>
    %add3A_76 = arith.addf %logistic3A_16, %mul3A_75 : vector<2000x128xf32>
    %swap3A_77 = arith.constant 0 : index
    %swap3A_78 = arith.constant 0 : index
    %swap3A_79 = vector.load %arg15[%swap3A_77, %swap3A_78] : memref<2000x128xf32, #tpu.memory_space<vmem>>, vector<2000x128xf32>
    tpu.vector_store %arg15[%swap3A_77, %swap3A_78], %add3A_76 {strides = array<i32>} : memref<2000x128xf32, #tpu.memory_space<vmem>>, vector<2000x128xf32>,
    return
  }
  func.func @transform_0(%arg0: i32) -> (i32, i32, i32) {
    %c0_i32 = arith.constant 0 : i32
    %c0_i32_0 = arith.constant 0 : i32
    %c0_i32_1 = arith.constant 0 : i32
    return %c0_i32, %arg0, %c0_i32_0 : i32, i32, i32
  }
  func.func @transform_1(%arg0: i32) -> (i32, i32, i32) {
    %c1_i32 = arith.constant 1 : i32
    %c0_i32 = arith.constant 0 : i32
    %c0_i32_0 = arith.constant 0 : i32
    return %c1_i32, %arg0, %c0_i32 : i32, i32, i32
  }
  func.func @transform_2(%arg0: i32) -> (i32, i32) {
    %c0_i32 = arith.constant 0 : i32
    %c0_i32_0 = arith.constant 0 : i32
    return %arg0, %c0_i32 : i32, i32
  }
  func.func @transform_3(%arg0: i32) -> (i32, i32) {
    %c0_i32 = arith.constant 0 : i32
    %c0_i32_0 = arith.constant 0 : i32
    return %arg0, %c0_i32 : i32, i32
  }
  func.func @transform_4(%arg0: i32) -> (i32, i32) {
    %c0_i32 = arith.constant 0 : i32
    %c0_i32_0 = arith.constant 0 : i32
    return %arg0, %c0_i32 : i32, i32
  }
  func.func @transform_5(%arg0: i32) -> (i32, i32) {
    %c0_i32 = arith.constant 0 : i32
    %c0_i32_0 = arith.constant 0 : i32
    %c0_i32_1 = arith.constant 0 : i32
    return %c0_i32, %c0_i32_0 : i32, i32
  }
  func.func @transform_6(%arg0: i32) -> (i32, i32) {
    %c0_i32 = arith.constant 0 : i32
    %c0_i32_0 = arith.constant 0 : i32
    %c0_i32_1 = arith.constant 0 : i32
    return %c0_i32, %c0_i32_0 : i32, i32
  }
  func.func @transform_7(%arg0: i32) -> (i32, i32) {
    %c0_i32 = arith.constant 0 : i32
    %c0_i32_0 = arith.constant 0 : i32
    %c0_i32_1 = arith.constant 0 : i32
    return %c0_i32, %c0_i32_0 : i32, i32
  }
  func.func @transform_8(%arg0: i32) -> (i32, i32) {
    %c0_i32 = arith.constant 0 : i32
    %c0_i32_0 = arith.constant 0 : i32
    %c0_i32_1 = arith.constant 0 : i32
    return %c0_i32, %c0_i32_0 : i32, i32
  }
  func.func @transform_9(%arg0: i32) -> (i32, i32) {
    %c0_i32 = arith.constant 0 : i32
    %c0_i32_0 = arith.constant 0 : i32
    %c0_i32_1 = arith.constant 0 : i32
    return %c0_i32, %c0_i32_0 : i32, i32
  }
  func.func @transform_10(%arg0: i32) -> (i32, i32) {
    %c0_i32 = arith.constant 0 : i32
    %c0_i32_0 = arith.constant 0 : i32
    %c0_i32_1 = arith.constant 0 : i32
    return %c0_i32, %c0_i32_0 : i32, i32
  }
  func.func @transform_11(%arg0: i32) -> (i32, i32) {
    %c0_i32 = arith.constant 0 : i32
    %c0_i32_0 = arith.constant 0 : i32
    %c0_i32_1 = arith.constant 0 : i32
    return %c0_i32, %c0_i32_0 : i32, i32
  }
  func.func @transform_12(%arg0: i32) -> i32 {
    %c0_i32 = arith.constant 0 : i32
    %c0_i32_0 = arith.constant 0 : i32
    return %c0_i32 : i32
  }
  func.func @transform_13(%arg0: i32) -> (i32, i32) {
    %c0_i32 = arith.constant 0 : i32
    %c0_i32_0 = arith.constant 0 : i32
    return %arg0, %c0_i32 : i32, i32
  }
  func.func @transform_14(%arg0: i32) -> (i32, i32) {
    %c0_i32 = arith.constant 0 : i32
    %c0_i32_0 = arith.constant 0 : i32
    return %arg0, %c0_i32 : i32, i32
  }
}

module attributes {stable_mosaic.version = 14 : i64} {
  func.func @_pre_sup_body(%arg0: i32, %arg1: memref<2000x128xf32, #tpu.memory_space<vmem>>, %arg2: memref<128x128xf32, #tpu.memory_space<vmem>>, %arg3: memref<2000x128xf32, #tpu.memory_space<vmem>>) attributes {dimension_semantics = [#tpu.dimension_semantics<arbitrary>], iteration_bounds = array<i64: 5>, scalar_prefetch = 0 : i64, scratch_operands = 0 : i64, tpu.core_type = #tpu.core_type<tc>, window_params = [{transform_indices = @transform_0, window_bounds = array<i64: 2000, 128>}, {pipeline_mode = #tpu.pipeline_mode<synchronous>, transform_indices = @transform_1, window_bounds = array<i64: 128, 128>}, {transform_indices = @transform_2, window_bounds = array<i64: 2000, 128>}]} {
    %get3A = arith.constant 0 : index
    %get3A_0 = arith.constant 0 : index
    %get3A_1 = vector.load %arg1[%get3A, %get3A_0] : memref<2000x128xf32, #tpu.memory_space<vmem>>, vector<2000x128xf32>
    %get3A_2 = arith.constant 0 : index
    %get3A_3 = arith.constant 0 : index
    %get3A_4 = vector.load %arg2[%get3A_2, %get3A_3] : memref<128x128xf32, #tpu.memory_space<vmem>>, vector<128x128xf32>
    %dot_general3A = arith.constant dense<0.000000e+00> : vector<2000x128xf32>
    %dot_general3A_5 = tpu.matmul %get3A_1, %get3A_4, %dot_general3A {dimension_numbers = #tpu.dot_dimension_numbers<[1], [0], [0], [1], [0, 0, 1, 1], [], []>, transpose_lhs_hint = false} : vector<2000x128xf32>, vector<128x128xf32>, vector<2000x128xf32> -> vector<2000x128xf32>
    %swap3A = arith.constant 0 : index
    %swap3A_6 = arith.constant 0 : index
    %swap3A_7 = vector.load %arg3[%swap3A, %swap3A_6] : memref<2000x128xf32, #tpu.memory_space<vmem>>, vector<2000x128xf32>
    tpu.vector_store %arg3[%swap3A, %swap3A_6], %dot_general3A_5 {strides = array<i32>} : memref<2000x128xf32, #tpu.memory_space<vmem>>, vector<2000x128xf32>,
    return
  }
  func.func @transform_0(%arg0: i32) -> (i32, i32) {
    %c0_i32 = arith.constant 0 : i32
    %c0_i32_0 = arith.constant 0 : i32
    return %arg0, %c0_i32 : i32, i32
  }
  func.func @transform_1(%arg0: i32) -> (i32, i32) {
    %c0_i32 = arith.constant 0 : i32
    %c0_i32_0 = arith.constant 0 : i32
    %c0_i32_1 = arith.constant 0 : i32
    return %c0_i32, %c0_i32_0 : i32, i32
  }
  func.func @transform_2(%arg0: i32) -> (i32, i32) {
    %c0_i32 = arith.constant 0 : i32
    %c0_i32_0 = arith.constant 0 : i32
    return %arg0, %c0_i32 : i32, i32
  }
}

</mosaic_0001>

<sc_bundles>
// kernel: kernel.5.cloned.1.call-start
scs
__scs_entry_jumppad:
0x0: {  	(pc) =	sbr.rel $0x88, $3  }
0x1: {  	(tag) =	ssettag $0x0;
	lr =	simm.s32 $0x1  }
0x2: {  	[smem:$0x3F95] =	sst lr;
	_ =	strace $0xD0000000  }
0x3: {  	_ = 	snop  }
0x4: {  	_ = 	snop  }
0x5: {  	_ = 	snop  }
0x6: {  	_ = 	snop  }
0x7: {  	_ = 	snop  }
__scs_overlays_trampoline_lowered:
0x8: {  	[smem:$0x3FA4] =	sst s0  }
0x9: {  	[smem:$0x3FA5] =	sst s1  }
0xa: {  	[smem:$0x3FA6] =	sst s2  }
0xb: {  	[smem:$0x3FA7] =	sst s3  }
0xc: {  	[smem:$0x3FA8] =	sst s4  }
0xd: {  	[smem:$0x3FA9] =	sst s5  }
0xe: {  	[smem:$0x3FAA] =	sst s6  }
0xf: {  	[smem:$0x3FAB] =	sst s7  }
0x10: {  	[smem:$0x3FAC] =	sst s8  }
0x11: {  	[smem:$0x3FAD] =	sst s9;
	s0 =	simm.s32 @!p0 $0x0  }
0x12: {  	s1 =	sld [smem:$0x3F93];
	s0 =	simm.s32 @p0 $0x1  }
0x13: {  	[smem:$0x3FAE] =	sst s0;
	s0 =	simm.s32 @!p1 $0x0  }
0x14: {  	s2 =	sld [smem:$0x3F92];
	s0 =	simm.s32 @p1 $0x1  }
0x15: {  	[smem:$0x3FAF] =	sst s0;
	s0 =	simm.s32 @!p2 $0x0  }
0x16: {  	s3 =	sld [smem:$0x3FDB];
	s0 =	simm.s32 @p2 $0x1  }
0x17: {  	s4 =	simm.s32 $0x1BF5;
	[smem:$0x3FB1] =	sst s0  }
0x18: {  	s0 =	sld [smem:$0x3F94];
	_ =	swait.ge [sflag:s4], $0x0  }
0x19: {  	s7 =	sld [smem:$0x3F95]  }
0x1a: {  	s8 =	sadd.s32 $0xFFFFE003, lr  }
0x1b: {  	s9 =	sadd.s32 $0xFFFFFEF7, lr;
	s5 =	simm.s32 $0xFFFFFFFF;
	p2 =	slt.u32 s8, $0xFFFFF086  }
0x1c: {  	p1 =	slt.u32 s9, $0xF7A;
	s5 =	simm.s32 @!p2 $0x0  }
0x1d: {  	s5 =	simm.s32 @p1 $0x1;
	p0 =	seq.s32 s7, s2  }
0x1e: {  	s7 =	smul.u32 @!p0 $0xF7A, s2;
	p2 =	seq.s32 @!p0 s5, $0x0  }
0x1f: {  	s9 =	smul.u32 $0xF7A, s1;
	s8 =	simm.s32 @!p0 $0x1BF5;
	p2 =	por !p2, p0  }
0x20: {  	[sflag:s8] =	ssyncset.s32 @!p0 $0xFFFFF086;
	s6 =	sadd.s32 @!p0 s3, s7;
	s7 =	simm.s32 @!p0 $0x108  }
0x21: {  	s3 =	sadd.s32 s3, s9;
	s6 =	sadd.s32 @!p0 $0x88, s6;
	s7 =	simm.s32 @p2 $0x1082  }
0x22: {  	[simem:s7], [sflag:s8] =	dma.local @!p0 [hbm:s6], $0xF7A  }
0x23: {  	s9 =	sor.u32 $0xD0000000, s2;
	s6 =	simm.s32 $0x108;
	_ =	swait.ge @!p0 [sflag:s8], $0x0  }
0x24: {  	s3 =	sadd.s32 $0x88, s3;
	s6 =	simm.s32 @!p1 $0x1082;
	[sflag:s4] =	ssyncset.s32 $0xFFFFF086  }
0x25: {  	[simem:s6], [sflag:s4] =	dma.local [hbm:s3], $0xF7A  }
0x26: {  	[smem:$0x3F95] =	sst s1;
	(tag) =	ssettag s2;
	_ =	strace s9  }
0x27: {  	s1 =	sld [smem:$0x3FA5]  }
0x28: {  	s2 =	sld [smem:$0x3FA6]  }
0x29: {  	s4 =	sld [smem:$0x3FA8]  }
0x2a: {  	p0 =	seq.s32 s5, $0x0;
	s5 =	sld [smem:$0x3FA9]  }
0x2b: {  	s6 =	sld [smem:$0x3FAA]  }
0x2c: {  	s7 =	sld [smem:$0x3FAB]  }
0x2d: {  	s3 =	simm.s32 $0x108;
	s8 =	sld [smem:$0x3FAC]  }
0x2e: {  	s3 =	simm.s32 @!p0 $0x1082;
	s9 =	sld [smem:$0x3FAD]  }
0x2f: {  	lr =	sadd.s32 s0, s3;
	s0 =	sld [smem:$0x3FA4]  }
0x30: {  	s3 =	sld [smem:$0x3FA7]  }
0x31: {  	[smem:$0x3FB0] =	sst s10  }
0x32: {  	s10 =	sld [smem:$0x3FAE];
	_ =	sdelay $0x3  }
0x33: {  	p0 =	seq.s32 s10, $0x1;
	s10 =	sld [smem:$0x3FB0];
	_ =	sdelay $0x3  }
0x34: {  	[smem:$0x3FB0] =	sst s10  }
0x35: {  	s10 =	sld [smem:$0x3FAF];
	_ =	sdelay $0x3  }
0x36: {  	p1 =	seq.s32 s10, $0x1;
	s10 =	sld [smem:$0x3FB0];
	_ =	sdelay $0x3  }
0x37: {  	[smem:$0x3FB0] =	sst s10  }
0x38: {  	s10 =	sld [smem:$0x3FB1]  }
0x39: {  	_ = 	snop;
	(pc) =	sbr.ind lr, $3  }
0x3a: {  	_ = 	snop  }
0x3b: {  	_ = 	snop  }
0x3c: {  	p2 =	seq.s32 s10, $0x1;
	s10 =	sld [smem:$0x3FB0]  }
0x3d: {  	_ =	shalt  }
0x3e: {  	_ =	shalt  }
0x3f: {  	_ =	shalt  }
0x40: {  	_ =	shalt  }
0x41: {  	_ =	shalt  }
0x42: {  	_ =	shalt  }
0x43: {  	_ =	shalt  }
0x44: {  	_ =	shalt  }
0x45: {  	_ =	shalt  }
0x46: {  	_ =	shalt  }
0x47: {  	_ =	shalt  }
0x48: {  	_ =	shalt  }
0x49: {  	_ =	shalt  }
0x4a: {  	_ =	shalt  }
0x4b: {  	_ =	shalt  }
0x4c: {  	_ =	shalt  }
0x4d: {  	_ =	shalt  }
0x4e: {  	_ =	shalt  }
0x4f: {  	_ =	shalt  }
0x50: {  	_ =	shalt  }
0x51: {  	_ =	shalt  }
0x52: {  	_ =	shalt  }
0x53: {  	_ =	shalt  }
0x54: {  	_ =	shalt  }
0x55: {  	_ =	shalt  }
0x56: {  	_ =	shalt  }
0x57: {  	_ =	shalt  }
0x58: {  	_ =	shalt  }
0x59: {  	_ =	shalt  }
0x5a: {  	_ =	shalt  }
0x5b: {  	_ =	shalt  }
0x5c: {  	_ =	shalt  }
0x5d: {  	_ =	shalt  }
0x5e: {  	_ =	shalt  }
0x5f: {  	_ =	shalt  }
0x60: {  	_ =	shalt  }
0x61: {  	_ =	shalt  }
0x62: {  	_ =	shalt  }
0x63: {  	_ =	shalt  }
0x64: {  	_ =	shalt  }
0x65: {  	_ =	shalt  }
0x66: {  	_ =	shalt  }
0x67: {  	_ =	shalt  }
0x68: {  	_ =	shalt  }
0x69: {  	_ =	shalt  }
0x6a: {  	_ =	shalt  }
0x6b: {  	_ =	shalt  }
0x6c: {  	_ =	shalt  }
0x6d: {  	_ =	shalt  }
0x6e: {  	_ =	shalt  }
0x6f: {  	_ =	shalt  }
0x70: {  	_ =	shalt  }
0x71: {  	_ =	shalt  }
0x72: {  	_ =	shalt  }
0x73: {  	_ =	shalt  }
0x74: {  	_ =	shalt  }
0x75: {  	_ =	shalt  }
0x76: {  	_ =	shalt  }
0x77: {  	_ =	shalt  }
0x78: {  	_ =	shalt  }
0x79: {  	_ =	shalt  }
0x7a: {  	_ =	shalt  }
0x7b: {  	_ =	shalt  }
0x7c: {  	_ =	shalt  }
0x7d: {  	_ =	shalt  }
0x7e: {  	_ =	shalt  }
0x7f: {  	_ =	shalt  }
0x80: {  	_ =	shalt  }
0x81: {  	_ =	shalt  }
0x82: {  	_ =	shalt  }
0x83: {  	_ =	shalt  }
0x84: {  	_ =	shalt  }
0x85: {  	_ =	shalt  }
0x86: {  	_ =	shalt  }
0x87: {  	_ =	shalt  }
.Lfunc_end0:
.L_simem_size_0:
called_computation_lowered:
.L_overlay_start_0:
0x88: {  	s2 =	sld [smem:$0x3FD9]  }
0x89: {  	s3 =	sld [smem:$0x3FFE];
	_ =	sdelay $0x1  }
0x8a: {  	s1 =	srdreg.scid  }
0x8b: {  	s0 =	sand.u32 $0x1, s1  }
0x8c: {  	s14 =	sshll.u32 s0, $0xA;
	s2 =	sadd.s32 s3, s2  }
0x8d: {  	s2 =	sadd.s32 s2, s14  }
0x8e: {  	[smem:$0x3FBC] =	sst s2  }
0x8f: {  	_ = 	snop  }
0x90: {  	s2 =	sld [smem:$0x3FD0];
	_ =	sdelay $0x2  }
0x91: {  	s15 =	simm.s32 $0xA;
	s4 =	simm.s32 $0x10  }
0x92: {  	[smem:s4], [sflag:s15] =	dma.local [hbm:s2], $0x1  }
0x93: {  	_ =	swait.eq [sflag:s15], $0x1  }
0x94: {  	[sflag:s15] =	ssyncset.done $0x0  }
0x95: {  	s16 =	sld [smem:$0x10];
	[sflag:s15] =	ssyncadd.s32 $0xFFFFFFFF  }
0x96: {  	s17 =	sld [smem:$0x11];
	(tm) =	ssettm $0x1  }
0x97: {  	s18 =	sld [smem:$0x3FFB];
	_ =	sdelay $0x3  }
0x98: {  	_ =	strace s18  }
0x99: {  	s4 =	sld [smem:$0x3FFC];
	_ =	sdelay $0x3  }
0x9a: {  	_ =	strace s4  }
0x9b: {  	s4 =	sld [smem:$0x3FFD];
	_ =	sdelay $0x3  }
0x9c: {  	_ =	strace s4  }
0x9d: {  	_ =	strace $0x8FFFFFFF  }
0x9e: {  	s19 =	sld [smem:$0x3FDB];
	_ =	sdelay $0x1  }
0x9f: {  	s5 =	simm.s32 $_scs_section_size  }
0xa0: {  	s6 =	simm.s32 $_size__tile_overlayer_lowered;
	s7 =	simm.s32 $_tile_overlayer_lowered  }
0xa1: {  	s22 =	simm.s32 $0x1BFF;
	s21 =	sshll.u32 s7, $0x1;
	s4 =	sadd.s32 s5, s19  }
0xa2: {  	s8 =	simm.s32 $0x0;
	s20 =	sshll.u32 s6, $0x1;
	s6 =	sadd.s32 s21, s4  }
0xa3: {  	[timem:s8], [sflag:s22] =	dma.local [hbm:s6], s20  }
0xa4: {  	_ =	swait.ge [sflag:s22], s20  }
0xa5: {  	s5 =	ssub.s32 $0x0, s20;
	[sflag:s22] =	ssyncset.done $0x0  }
0xa6: {  	[sflag:s22] =	ssyncadd.s32 s5;
	_ =	sdelay $0x1  }
0xa7: {  	s23 =	simm.s32 $0x1B8B  }
0xa8: {  	_ =	swait.ge [sflag:s23], $0x1  }
0xa9: {  	[sflag:s23] =	ssyncset.done $0x0  }
0xaa: {  	s25 =	simm.s32 $0x1B8E;
	s24 =	sld [smem:$0x3FFE];
	[sflag:s23] =	ssyncadd.s32 $0xFFFFFFFF  }
0xab: {  	s26 =	simm.s32 $execute0_lowered;
	[smem:$0x3FD2] =	sst s25  }
0xac: {  	s6 =	sshll.u32 s26, $0x1;
	_ =	strace $0x80000046;
	[dreg:$0x1] =	wrdreg $0xFFFFFFFF  }
0xad: {  	s28 =	simm.s32 $_size_execute0_lowered;
	s4 =	sadd.s32 s4, s6;
	[dreg:$0x0] =	wrdreg $0x0  }
0xae: {  	s6 =	sshll.u32 s28, $0x1;
	[dreg:$0x2] =	wrdreg s4  }
0xaf: {  	[dreg:$0x3] =	wrdreg s6  }
0xb0: {  	[dreg:$0x4] =	wrdreg $0xC0  }
0xb1: {  	_ =	task [dreg:s8], $0x5FFFF  }
0xb2: {  	[dreg:$0x1] =	wrdreg $0xFFFFFFFF  }
0xb3: {  	[dreg:$0x0] =	wrdreg $0x60  }
0xb4: {  	[dreg:$0x2] =	wrdreg s17  }
0xb5: {  	[dreg:$0x3] =	wrdreg s24  }
0xb6: {  	[dreg:$0x4] =	wrdreg s16  }
0xb7: {  	[dreg:$0x5] =	wrdreg $0xB3000  }
0xb8: {  	[dreg:$0x6] =	wrdreg $0x9  }
0xb9: {  	_ =	task.clear_ibuf [dreg:s8], $0x7FFFF;
	_ =	strace $0x90000046  }
0xba: {  	s29 =	simm.s32 $0x9;
	_ =	strace $0x80000048  }
0xbb: {  	_ =	swait.ge [sflag:s29], $0x1  }
0xbc: {  	[sflag:s29] =	ssyncadd.s32 $0xFFFFFFFF  }
0xbd: {  	_ =	strace $0x90000048  }
0xbe: {  	_ =	sfence  }
0xbf: {  	s30 =	sld [smem:$0x0];
	_ =	sdelay $0x2  }
0xc0: {  	s31 =	sshll.u32 s1, $0xD;
	s1 =	sshrl.u32 s1, $0x2  }
0xc1: {  	s3 =	sand.u32 $0x4000, s31;
	s1 =	sadd.s32 s1, s30  }
0xc2: {  	s0 =	sor.u32 s3, s0;
	s1 =	sshll.u32 s1, $0x11  }
0xc3: {  	s0 =	sor.u32 s1, s0  }
0xc4: {  	s0 =	sadd.s32 $0x8F2B, s0  }
0xc5: {  	[sflag:s0] =	ssyncadd.remote.s32 $0x1  }
0xc6: {  	_ =	sfence.sel $0xFFFF  }
0xc7: {  	[dreg:$0x0] =	wrdreg $0xFFFFFFFF;
	(pc) =	sbr.abs _section_cstart, $3  }
0xc8: {  	[dreg:$0x1] =	wrdreg $0xFFFFFFFF  }
0xc9: {  	_ =	task.clear_ibuf [dreg:s8], $0x2FFFF;
	_ =	strace $0x9FFFFFFF  }
0xca: {  	(tm) =	ssettm $0x7FFFFFFF  }
0xcb: {  	_ =	shalt  }
tec
execute0_lowered:
.L_overlay_start_1:
0x0: {  	(tag) =	ssettag $0x1  }
0x1: {  	s0 =	rddreg [dreg:$0x0]  }
0x2: {  	s1 =	rddreg [dreg:$0x1]  }
0x3: {  	s2 =	srdreg.scid;
	s3 =	rddreg [dreg:$0x3]  }
0x4: {  	s16 =	stileid.u32;
	s5 =	simm.s32 $0x0;
	s11 =	simm.s32 $0xB  }
0x5: {  	s12 =	simm.s32 $0x2780;
	s13 =	simm.s32 $0x28;
	s14 =	simm.s32 $0x4F00  }
0x6: {  	s15 =	simm.s32 $0x6300;
	s17 =	simm.s32 $0x7700;
	s19 =	simm.s32 $0x8B00  }
0x7: {  	s21 =	simm.s32 $0x1;
	s23 =	simm.s32 $0x9F00;
	s28 =	simm.s32 $0x6  }
0x8: {  	s29 =	simm.s32 $0x3;
	s30 =	simm.s32 $0x7;
	s31 =	simm.s32 $0x4  }
0x9: {  	s18 =	simm.s32 $0xA;
	s2 =	sand.u32 $0x1, s2;
	s8 =	smul.u32 $0x13800, s16  }
0xa: {  	[smem:$0x7FF] =	sst s5;
	s9 =	smul.u32 $0x4E000, s16;
	p0 =	sne.s32 s16, $0x0  }
0xb: {  	p1 =	seq.s32 s16, $0xF;
	s4 =	sshll.u32 s2, $0x4;
	_ =	strace $0x80000047  }
0xc: {  	s6 =	ssub.s32 $0x2, s2;
	s2 =	smul.u32 $0x138800, s2;
	s4 =	sor.u32 s16, s4  }
0xd: {  	s20 =	sshrl.u32 @!p0 s3, $0x3;
	s7 =	sshrl.u32 s6, $0x1;
	s4 =	smul.u32 $0x4E2, s4  }
0xe: {  	s9 =	sshrl.u32 s9, $0x2;
	s16 =	simm.s32 $0x9;
	s6 =	ssub.s32 s6, s7  }
0xf: {  	s26 =	sadd.s32 s8, s2;
	s2 =	sshrl.u32 s2, $0x3;
	s4 =	sadd.s32 s4, s1  }
0x10: {  	s10 =	smax.u32 s6, $0x1;
	s25 =	sadd.s32 $0xB800, s4;
	s4 =	sadd.s32 $0x1A00, s4  }
0x11: {  	s1 =	sadd.s32 $0x15600, s1;
	[dreg:$0x6] =	wrdreg s4;
	s4 =	sshrl.u32 s26, $0x3  }
0x12: {  	s2 =	sadd.s32 s1, s2;
	[dreg:$0x5] =	wrdreg s25;
	s8 =	sadd.s32 s1, s4  }
0x13: {  	s1 =	sadd.s32 s9, s3;
	s9 =	sadd.s32 $0x24900, s2;
	s2 =	sadd.s32 $0x124800, s3  }
0x14: {  	s26 =	simm.s32 $0x2;
	s4 =	simm.s32 $0x0;
	s24 =	sshrl.u32 @p1 s2, $0x3  }
0x15: {  	s25 =	sshrl.u32 @!p1 s1, $0x3;
	s1 =	simm.s32 $0x8;
	s2 =	simm.s32 $0x5  }
.LBB2_1:
0x16: {  	s6 =	rddreg [dreg:$0x5]  }
0x17: {  	[tilespmem:s5], [sflag:$0xB] =	stream.linear.gather [hbm4b:s6+s5], $0x2710, $0x38;
	[tilespmem:$0x1EB80] =	vst v63  }
0x18: {  	_ =	swait.ge [sflag:s11], $0x2710  }
0x19: {  	[sflag:s11] =	ssyncset.done $0x0  }
0x1a: {  	s22 =	rddreg [dreg:$0x6];
	[sflag:s11] =	ssyncadd.s32 $0xFFFFD8F0  }
0x1b: {  	[tilespmem:s12], [sflag:$0xB] =	stream.linear.gather [hbm4b:s22+s5], $0x2710, $0x38;
	[tilespmem:$0x1EB80] =	vst v63  }
0x1c: {  	_ =	swait.ge [sflag:s11], $0x2710  }
0x1d: {  	[sflag:s11] =	ssyncset.done $0x0  }
0x1e: {  	[sflag:s11] =	ssyncadd.s32 $0xFFFFD8F0  }
0x1f: {  	[tilespmem:s14], [sflag:$0x1] =	stream.indirect.gather [hbm4b:s0+s13], $0x80, s5, s13, $0xb8;
	[tilespmem:$0x1EB80] =	vst v63  }
0x20: {  	_ = 	snop  }
0x21: {  	[tilespmem:s15], [sflag:$0x2] =	stream.indirect.gather [hbm4b:s0+s13], $0x80, s13, s13, $0xb8;
	[tilespmem:$0x1EB80] =	vst v63  }
0x22: {  	s7 =	simm.s32 $0x50  }
0x23: {  	[tilespmem:s17], [sflag:$0x3] =	stream.indirect.gather [hbm4b:s0+s13], $0x80, s7, s13, $0xb8;
	[tilespmem:$0x1EB80] =	vst v63  }
0x24: {  	s6 =	simm.s32 @!p0 $0x1C0B;
	s22 =	simm.s32 $0x78;
	s7 =	rddreg [dreg:$0x2]  }
0x25: {  	[tilespmem:s19], [sflag:$0x4] =	stream.indirect.gather [hbm4b:s0+s13], $0x80, s22, s13, $0xb8;
	[tilespmem:$0x1EB80] =	vst v63  }
0x26: {  	[spmem:s20], [sflag:s6] =	dma.local @!p0 [hbm:s7], $0x27100  }
0x27: {  	s6 =	simm.s32 @!p0 $0xB  }
0x28: {  	_ =	swait.ge @!p0 [sflag:s6], $0x27100  }
0x29: {  	[sflag:s6] =	ssyncset.done @!p0 $0x0  }
0x2a: {  	[sflag:s6] =	ssyncadd.s32 @!p0 $0xFFFD8F00  }
0x2b: {  	[bflag:$0x0] =	sbarrier.arrive $0xFFFF  }
0x2c: {  	_ =	swait.ge [sflag:s21], $0x1400  }
0x2d: {  	[sflag:s21] =	ssyncset.done $0x0  }
0x2e: {  	[sflag:s21] =	ssyncadd.s32 $0xFFFFEC00  }
0x2f: {  	[spmem:s3] =	stream.indirect.scatter.add.f32 [tilespmem:s14], [sflag:$0x6], $0x80, s12, s13, $0xb8;
	[tilespmem:$0x1EB80] =	vst v63  }
0x30: {  	s7 =	simm.s32 $0xA0  }
0x31: {  	[tilespmem:s23], [sflag:$0x5] =	stream.indirect.gather [hbm4b:s0+s13], $0x80, s7, s13, $0xb8;
	[tilespmem:$0x1EB80] =	vst v63  }
0x32: {  	_ =	swait.ge [sflag:s26], $0x1400  }
0x33: {  	[sflag:s26] =	ssyncset.done $0x0  }
0x34: {  	s22 =	simm.s32 $0x27A8;
	[sflag:s26] =	ssyncadd.s32 $0xFFFFEC00  }
0x35: {  	[spmem:s3] =	stream.indirect.scatter.add.f32 [tilespmem:s15], [sflag:$0x7], $0x80, s22, s13, $0xb8;
	[tilespmem:$0x1EB80] =	vst v63  }
0x36: {  	_ =	swait.ge [sflag:s28], $0x1400  }
0x37: {  	[sflag:s28] =	ssyncset.done $0x0  }
0x38: {  	s7 =	simm.s32 $0xC8;
	[sflag:s28] =	ssyncadd.s32 $0xFFFFEC00  }
0x39: {  	[tilespmem:s14], [sflag:$0x1] =	stream.indirect.gather [hbm4b:s0+s13], $0x80, s7, s13, $0xb8;
	[tilespmem:$0x1EB80] =	vst v63  }
0x3a: {  	_ =	swait.ge [sflag:s29], $0x1400  }
0x3b: {  	[sflag:s29] =	ssyncset.done $0x0  }
0x3c: {  	s22 =	simm.s32 $0x27D0;
	[sflag:s29] =	ssyncadd.s32 $0xFFFFEC00  }
0x3d: {  	[spmem:s3] =	stream.indirect.scatter.add.f32 [tilespmem:s17], [sflag:$0x8], $0x80, s22, s13, $0xb8;
	[tilespmem:$0x1EB80] =	vst v63  }
0x3e: {  	_ =	swait.ge [sflag:s30], $0x1400  }
0x3f: {  	[sflag:s30] =	ssyncset.done $0x0  }
0x40: {  	s7 =	simm.s32 $0xF0;
	[sflag:s30] =	ssyncadd.s32 $0xFFFFEC00  }
0x41: {  	[tilespmem:s15], [sflag:$0x2] =	stream.indirect.gather [hbm4b:s0+s13], $0x80, s7, s13, $0xb8;
	[tilespmem:$0x1EB80] =	vst v63  }
0x42: {  	_ =	swait.ge [sflag:s31], $0x1400  }
0x43: {  	[sflag:s31] =	ssyncset.done $0x0  }
0x44: {  	s22 =	simm.s32 $0x27F8;
	[sflag:s31] =	ssyncadd.s32 $0xFFFFEC00  }
0x45: {  	[spmem:s3] =	stream.indirect.scatter.add.f32 [tilespmem:s19], [sflag:$0x9], $0x80, s22, s13, $0xb8;
	[tilespmem:$0x1EB80] =	vst v63  }
0x46: {  	_ =	swait.ge [sflag:s1], $0x1400  }
0x47: {  	[sflag:s1] =	ssyncset.done $0x0  }
0x48: {  	s7 =	simm.s32 $0x118;
	[sflag:s1] =	ssyncadd.s32 $0xFFFFEC00  }
0x49: {  	[tilespmem:s17], [sflag:$0x3] =	stream.indirect.gather [hbm4b:s0+s13], $0x80, s7, s13, $0xb8;
	[tilespmem:$0x1EB80] =	vst v63  }
0x4a: {  	_ =	swait.ge [sflag:s2], $0x1400  }
0x4b: {  	[sflag:s2] =	ssyncset.done $0x0  }
0x4c: {  	s22 =	simm.s32 $0x2820;
	[sflag:s2] =	ssyncadd.s32 $0xFFFFEC00  }
0x4d: {  	[spmem:s3] =	stream.indirect.scatter.add.f32 [tilespmem:s23], [sflag:$0xA], $0x80, s22, s13, $0xb8;
	[tilespmem:$0x1EB80] =	vst v63  }
0x4e: {  	_ =	swait.ge [sflag:s16], $0x1400  }
0x4f: {  	[sflag:s16] =	ssyncset.done $0x0  }
0x50: {  	s7 =	simm.s32 $0x140;
	[sflag:s16] =	ssyncadd.s32 $0xFFFFEC00  }
0x51: {  	[tilespmem:s19], [sflag:$0x4] =	stream.indirect.gather [hbm4b:s0+s13], $0x80, s7, s13, $0xb8;
	[tilespmem:$0x1EB80] =	vst v63  }
0x52: {  	_ =	swait.ge [sflag:s21], $0x1400  }
0x53: {  	[sflag:s21] =	ssyncset.done $0x0  }
0x54: {  	s22 =	simm.s32 $0x2848;
	[sflag:s21] =	ssyncadd.s32 $0xFFFFEC00  }
0x55: {  	[spmem:s3] =	stream.indirect.scatter.add.f32 [tilespmem:s14], [sflag:$0x6], $0x80, s22, s13, $0xb8;
	[tilespmem:$0x1EB80] =	vst v63  }
0x56: {  	_ =	swait.ge [sflag:s18], $0x1400  }
0x57: {  	[sflag:s18] =	ssyncset.done $0x0  }
0x58: {  	s6 =	simm.s32 $0x168;
	s22 =	simm.s32 $0x320;
	[sflag:s18] =	ssyncadd.s32 $0xFFFFEC00  }
.LBB2_2:
0x59: {  	[tilespmem:s23], [sflag:$0x5] =	stream.indirect.gather [hbm4b:s0+s13], $0x80, s6, s13, $0xb8;
	[tilespmem:$0x1EB80] =	vst v63  }
0x5a: {  	s6 =	smov.u32 s22  }
0x5b: {  	p2 =	sne.s32 s22, $0x9600;
	s22 =	sadd.s32 $0x320, s22;
	_ =	swait.ge [sflag:s26], $0x1400  }
0x5c: {  	s6 =	sshra.s32 s6, $0x2;
	[sflag:s26] =	ssyncset.done $0x0  }
0x5d: {  	s7 =	sadd.s32 $0x27A8, s6;
	[sflag:s26] =	ssyncadd.s32 $0xFFFFEC00  }
0x5e: {  	[spmem:s3] =	stream.indirect.scatter.add.f32 [tilespmem:s15], [sflag:$0x7], $0x80, s7, s13, $0xb8;
	[tilespmem:$0x1EB80] =	vst v63  }
0x5f: {  	_ =	swait.ge [sflag:s28], $0x1400  }
0x60: {  	[sflag:s28] =	ssyncset.done $0x0  }
0x61: {  	s7 =	sadd.s32 $0xC8, s6;
	[sflag:s28] =	ssyncadd.s32 $0xFFFFEC00  }
0x62: {  	[tilespmem:s14], [sflag:$0x1] =	stream.indirect.gather [hbm4b:s0+s13], $0x80, s7, s13, $0xb8;
	[tilespmem:$0x1EB80] =	vst v63  }
0x63: {  	_ =	swait.ge [sflag:s29], $0x1400  }
0x64: {  	[sflag:s29] =	ssyncset.done $0x0  }
0x65: {  	s7 =	sadd.s32 $0x27D0, s6;
	[sflag:s29] =	ssyncadd.s32 $0xFFFFEC00  }
0x66: {  	[spmem:s3] =	stream.indirect.scatter.add.f32 [tilespmem:s17], [sflag:$0x8], $0x80, s7, s13, $0xb8;
	[tilespmem:$0x1EB80] =	vst v63  }
0x67: {  	_ =	swait.ge [sflag:s30], $0x1400  }
0x68: {  	[sflag:s30] =	ssyncset.done $0x0  }
0x69: {  	s7 =	sadd.s32 $0xF0, s6;
	[sflag:s30] =	ssyncadd.s32 $0xFFFFEC00  }
0x6a: {  	[tilespmem:s15], [sflag:$0x2] =	stream.indirect.gather [hbm4b:s0+s13], $0x80, s7, s13, $0xb8;
	[tilespmem:$0x1EB80] =	vst v63  }
0x6b: {  	_ =	swait.ge [sflag:s31], $0x1400  }
0x6c: {  	[sflag:s31] =	ssyncset.done $0x0  }
0x6d: {  	s7 =	sadd.s32 $0x27F8, s6;
	[sflag:s31] =	ssyncadd.s32 $0xFFFFEC00  }
0x6e: {  	[spmem:s3] =	stream.indirect.scatter.add.f32 [tilespmem:s19], [sflag:$0x9], $0x80, s7, s13, $0xb8;
	[tilespmem:$0x1EB80] =	vst v63  }
0x6f: {  	_ =	swait.ge [sflag:s1], $0x1400  }
0x70: {  	[sflag:s1] =	ssyncset.done $0x0  }
0x71: {  	s7 =	sadd.s32 $0x118, s6;
	[sflag:s1] =	ssyncadd.s32 $0xFFFFEC00  }
0x72: {  	[tilespmem:s17], [sflag:$0x3] =	stream.indirect.gather [hbm4b:s0+s13], $0x80, s7, s13, $0xb8;
	[tilespmem:$0x1EB80] =	vst v63  }
0x73: {  	_ =	swait.ge [sflag:s2], $0x1400  }
0x74: {  	[sflag:s2] =	ssyncset.done $0x0  }
0x75: {  	s7 =	sadd.s32 $0x2820, s6;
	[sflag:s2] =	ssyncadd.s32 $0xFFFFEC00  }
0x76: {  	[spmem:s3] =	stream.indirect.scatter.add.f32 [tilespmem:s23], [sflag:$0xA], $0x80, s7, s13, $0xb8;
	[tilespmem:$0x1EB80] =	vst v63  }
0x77: {  	_ =	swait.ge [sflag:s16], $0x1400  }
0x78: {  	[sflag:s16] =	ssyncset.done $0x0  }
0x79: {  	s7 =	sadd.s32 $0x140, s6;
	[sflag:s16] =	ssyncadd.s32 $0xFFFFEC00  }
0x7a: {  	[tilespmem:s19], [sflag:$0x4] =	stream.indirect.gather [hbm4b:s0+s13], $0x80, s7, s13, $0xb8;
	[tilespmem:$0x1EB80] =	vst v63  }
0x7b: {  	_ =	swait.ge [sflag:s21], $0x1400  }
0x7c: {  	[sflag:s21] =	ssyncset.done $0x0  }
.Ltmp0:
0x7d: {  	s7 =	sadd.s32 $0x2848, s6;
	[sflag:s21] =	ssyncadd.s32 $0xFFFFEC00;
	(pc) =	sbr.rel @p2 .LBB2_2-.Ltmp0, $4  }
0x7e: {  	[spmem:s3] =	stream.indirect.scatter.add.f32 [tilespmem:s14], [sflag:$0x6], $0x80, s7, s13, $0xb8;
	[tilespmem:$0x1EB80] =	vst v63  }
0x7f: {  	_ =	swait.ge [sflag:s18], $0x1400  }
0x80: {  	[sflag:s18] =	ssyncset.done $0x0  }
0x81: {  	s6 =	sadd.s32 $0x168, s6;
	[sflag:s18] =	ssyncadd.s32 $0xFFFFEC00  }
0x82: {  	[tilespmem:s23], [sflag:$0x5] =	stream.indirect.gather [hbm4b:s0+s13], $0x80, s6, s13, $0xb8;
	[tilespmem:$0x1EB80] =	vst v63  }
0x83: {  	_ =	swait.ge [sflag:s26], $0x1400  }
0x84: {  	[sflag:s26] =	ssyncset.done $0x0  }
0x85: {  	s7 =	simm.s32 $0x4DF0;
	[sflag:s26] =	ssyncadd.s32 $0xFFFFEC00  }
0x86: {  	[spmem:s3] =	stream.indirect.scatter.add.f32 [tilespmem:s15], [sflag:$0x7], $0x80, s7, s13, $0xb8;
	[tilespmem:$0x1EB80] =	vst v63  }
0x87: {  	_ =	swait.ge [sflag:s28], $0x1400  }
0x88: {  	[sflag:s28] =	ssyncset.done $0x0  }
0x89: {  	[sflag:s28] =	ssyncadd.s32 $0xFFFFEC00  }
0x8a: {  	_ =	swait.ge [sflag:s29], $0x1400  }
0x8b: {  	[sflag:s29] =	ssyncset.done $0x0  }
0x8c: {  	s22 =	simm.s32 $0x4E18;
	[sflag:s29] =	ssyncadd.s32 $0xFFFFEC00  }
0x8d: {  	[spmem:s3] =	stream.indirect.scatter.add.f32 [tilespmem:s17], [sflag:$0x8], $0x80, s22, s13, $0xb8;
	[tilespmem:$0x1EB80] =	vst v63  }
0x8e: {  	_ =	swait.ge [sflag:s30], $0x1400  }
0x8f: {  	[sflag:s30] =	ssyncset.done $0x0  }
0x90: {  	[sflag:s30] =	ssyncadd.s32 $0xFFFFEC00  }
0x91: {  	_ =	swait.ge [sflag:s31], $0x1400  }
0x92: {  	[sflag:s31] =	ssyncset.done $0x0  }
0x93: {  	s7 =	simm.s32 $0x4E40;
	[sflag:s31] =	ssyncadd.s32 $0xFFFFEC00  }
0x94: {  	[spmem:s3] =	stream.indirect.scatter.add.f32 [tilespmem:s19], [sflag:$0x9], $0x80, s7, s13, $0xb8;
	[tilespmem:$0x1EB80] =	vst v63  }
0x95: {  	_ =	swait.ge [sflag:s1], $0x1400  }
0x96: {  	[sflag:s1] =	ssyncset.done $0x0  }
0x97: {  	[sflag:s1] =	ssyncadd.s32 $0xFFFFEC00  }
0x98: {  	_ =	swait.ge [sflag:s2], $0x1400  }
0x99: {  	[sflag:s2] =	ssyncset.done $0x0  }
0x9a: {  	s22 =	simm.s32 $0x4E68;
	[sflag:s2] =	ssyncadd.s32 $0xFFFFEC00  }
0x9b: {  	[spmem:s3] =	stream.indirect.scatter.add.f32 [tilespmem:s23], [sflag:$0xA], $0x80, s22, s13, $0xb8;
	[tilespmem:$0x1EB80] =	vst v63  }
0x9c: {  	_ =	swait.ge [sflag:s16], $0x1400  }
0x9d: {  	[sflag:s16] =	ssyncset.done $0x0  }
0x9e: {  	[sflag:s16] =	ssyncadd.s32 $0xFFFFEC00  }
0x9f: {  	_ =	swait.ge [sflag:s18], $0x1400  }
0xa0: {  	[sflag:s18] =	ssyncset.done $0x0  }
0xa1: {  	[sflag:s18] =	ssyncadd.s32 $0xFFFFEC00  }
0xa2: {  	s6 =	simm.s32 @p1 $0x1FCB;
	[bflag:$0x0] =	sbarrier.arrive $0xFFFF  }
0xa3: {  	[hbm:s9], [sflag:s6] =	dma.local @p1 [spmem:s24], $0x2800  }
0xa4: {  	s6 =	simm.s32 @p1 $0xB  }
0xa5: {  	s7 =	stileid.u32;
	_ =	swait.ge @p1 [sflag:s6], $0x2800  }
0xa6: {  	s4 =	sadd.s32 $0x1, s4;
	s7 =	sshll.u32 @!p1 s7, $0x6;
	[sflag:s6] =	ssyncset.done @p1 $0x0  }
0xa7: {  	p2 =	sne.s32 s4, s10;
	[sflag:s6] =	ssyncadd.s32 @p1 $0xFFFFD800;
	s6 =	sor.u32 @!p1 $0x1C0B, s7  }
0xa8: {  	[hbm:s8], [sflag:s6] =	dma.local @!p1 [spmem:s25], $0x2700  }
.Ltmp1:
0xa9: {  	_ = 	snop;
	(pc) =	sbr.rel @p2 .LBB2_1-.Ltmp1, $4  }
0xaa: {  	s6 =	simm.s32 @!p1 $0xB  }
0xab: {  	_ =	swait.ge @!p1 [sflag:s6], $0x2700  }
0xac: {  	[sflag:s6] =	ssyncset.done @!p1 $0x0  }
0xad: {  	[sflag:s6] =	ssyncadd.s32 @!p1 $0xFFFFD900  }
0xae: {  	_ =	sfence.sel $0x180000  }
0xaf: {  	[bflag:$0x0] =	sbarrier.arrive $0xFFFF  }
0xb0: {  	_ =	strace $0x90000047  }
0xb1: {  	[bflag:$0x2] =	sbarrier.arrive $0xFFFF  }
0xb2: {  	s0 =	rddreg [dreg:$0x4]  }
0xb3: {  	s0 =	sadd.s32 @!p0 $0x100000, s0  }
0xb4: {  	[sflag:s0] =	ssyncadd.tile.s32 @!p0 $0x1;
	_ =	shalt  }
.Lfunc_end2:
_tile_overlayer_lowered:
.L_overlay_start_2:
0xb5: {  	(tag) =	ssettag $0x2  }
0xb6: {  	s0 =	rddreg [dreg:$0x0];
	s2 =	stileid.u32  }
0xb7: {  	s1 =	rddreg [dreg:$0x1];
	p0 =	sne.s32 s2, $0x0  }
0xb8: {  	s3 =	rddreg [dreg:$0x2];
	[bflag:$0x3] =	sbarrier.arrive $0xFFFF;
	s2 =	simm.s32 @!p0 $0x1C0B  }
0xb9: {  	[timem:s3], [sflag:s2] =	dma.local @!p0 [hbm:s0], s1  }
0xba: {  	s0 =	simm.s32 @!p0 $0xB  }
0xbb: {  	_ =	swait.ge @!p0 [sflag:s0], s1  }
0xbc: {  	s1 =	ssub.s32 @!p0 $0x0, s1;
	[sflag:s0] =	ssyncset.done @!p0 $0x0  }
0xbd: {  	[sflag:s0] =	ssyncadd.s32 @!p0 s1  }
0xbe: {  	[bflag:$0x3] =	sbarrier.arrive $0xFFFF  }
0xbf: {  	_ =	shalt  }

</sc_bundles>
